<compile_context>
chip_gen: v7x
topology: tpu7x:2x2x1
jax: 0.10.2.dev20260603
libtpu: 0.0.44.dev20260713+nightly
codegen_flags: <defaults>
</compile_context>

<pallas_src>
import functools

import jax
import jax.numpy as jnp
import numpy as np
from jax import lax
from jax.experimental import pallas as pl
from jax.experimental.pallas import tpu as pltpu
from jax.experimental.pallas import tpu_sc as plsc

N = 10000
H = 32
IN_FDIM = 128
OUT_FDIM = 128
MID = 32
NUM_KP = 15
K16 = 16
TW = 48
KP_EXTENT = 1.0

NC, NS = 2, 16
NW = NC * NS
CH = 2000
NCHUNK = N // CH

BLK1 = 2000
BLK2 = 400

_HI = lax.Precision.HIGHEST


def _leaky(x):
    return jnp.where(x > 0, x, 0.1 * x)


def _kp_constants():
    rng = np.random.RandomState(42)
    kp = rng.uniform(-1.0, 1.0, size=(NUM_KP, 3)).astype(np.float32)
    kp = kp / np.maximum(np.linalg.norm(kp, axis=1, keepdims=True), 1e-6)
    radii = rng.uniform(0.0, 1.0, size=(NUM_KP, 1)).astype(np.float32) ** (1.0 / 3.0)
    kp = kp * radii * 0.66 * KP_EXTENT
    kp[0, :] = 0.0
    kpm = np.zeros((8, K16), dtype=np.float32)
    kpm[0:3, :NUM_KP] = kp.T
    kpm[3, :NUM_KP] = -0.5 * np.sum(kp * kp, axis=1)
    return kpm


_KPM = _kp_constants()

_E = np.zeros((K16, NUM_KP * MID), dtype=np.float32)
for _k in range(NUM_KP):
    _E[_k, _k * MID:(_k + 1) * MID] = 1.0
_R = np.zeros((MID, NUM_KP * MID), dtype=np.float32)
for _k in range(NUM_KP):
    _R[np.arange(MID), _k * MID + np.arange(MID)] = 1.0



def _tc1_body(feat, w1, spa, t_out):
    x1 = _leaky(jnp.dot(feat[...], w1[...], precision=_HI))
    t_out[...] = jnp.concatenate([x1, spa[...]], axis=1)


def _build_table(features, W1, sp_aug):
    return pl.pallas_call(
        _tc1_body,
        grid=(N // BLK1,),
        in_specs=[
            pl.BlockSpec((BLK1, IN_FDIM), lambda i: (i, 0)),
            pl.BlockSpec((IN_FDIM, MID), lambda i: (0, 0)),
            pl.BlockSpec((BLK1, 16), lambda i: (i, 0)),
        ],
        out_specs=pl.BlockSpec((BLK1, TW), lambda i: (i, 0)),
        out_shape=jax.ShapeDtypeStruct((N, TW), jnp.float32),
    )(features, W1, sp_aug)



def _sc_body(t_hbm, idxt_hbm, g_hbm, idx_v, rows_v, sem):
    wid = lax.axis_index("s") * NC + lax.axis_index("c")
    for ci in range(NCHUNK):
        base = ci * CH
        pltpu.sync_copy(idxt_hbm.at[pl.ds(wid * N + base, CH)], idx_v)
        pltpu.async_copy(t_hbm.at[idx_v], rows_v, sem).wait()
        pltpu.sync_copy(rows_v, g_hbm.at[wid, pl.ds(base, CH), :])


@functools.cache
def _sc_gather_fn():
    return functools.partial(
        pl.kernel,
        out_type=jax.ShapeDtypeStruct((H, N, TW), jnp.float32),
        mesh=plsc.VectorSubcoreMesh(core_axis_name="c", subcore_axis_name="s",
                                    num_cores=NC, num_subcores=NS),
        scratch_types=[
            pltpu.VMEM((CH,), jnp.int32),
            pltpu.VMEM((CH, TW), jnp.float32),
            pltpu.SemaphoreType.DMA,
        ],
        compiler_params=pltpu.CompilerParams(use_tc_tiling_on_sc=False),
    )(_sc_body)



def _tc2_body(g, qp8, feat, w2r, w3, ws, kpm, e, r, out):
    qb = qp8[...]
    acc = jnp.zeros((BLK2, NUM_KP * MID), jnp.float32)
    for h in range(H):
        gh = g[h]
        d8 = gh[:, 32:40] - qb
        nd2 = jnp.sum(d8 * d8, axis=1, keepdims=True) - 1.0
        sq = nd2 - 2.0 * jnp.dot(d8, kpm[...], precision=_HI)
        w = jnp.maximum(1.0 - jnp.sqrt(jnp.maximum(sq, 0.0) + 1e-12), 0.0)
        nx = gh[:, 0:32]
        acc = acc + (jnp.dot(w, e[...], precision=_HI)
                     * jnp.dot(nx, r[...], precision=_HI))
    x2 = _leaky(jnp.dot(acc, w2r[...], precision=_HI))
    x3 = _leaky(jnp.dot(x2, w3[...], precision=_HI))
    sc = _leaky(jnp.dot(feat[...], ws[...], precision=_HI))
    out[...] = _leaky(sc + x3)


def _aggregate(G, qp8, features, W2r, W3, Ws):
    return pl.pallas_call(
        _tc2_body,
        grid=(N // BLK2,),
        in_specs=[
            pl.BlockSpec((H, BLK2, TW), lambda i: (0, i, 0)),
            pl.BlockSpec((BLK2, 8), lambda i: (i, 0)),
            pl.BlockSpec((BLK2, IN_FDIM), lambda i: (i, 0)),
            pl.BlockSpec((NUM_KP * MID, MID), lambda i: (0, 0)),
            pl.BlockSpec((MID, OUT_FDIM), lambda i: (0, 0)),
            pl.BlockSpec((IN_FDIM, OUT_FDIM), lambda i: (0, 0)),
            pl.BlockSpec((8, K16), lambda i: (0, 0)),
            pl.BlockSpec((K16, NUM_KP * MID), lambda i: (0, 0)),
            pl.BlockSpec((MID, NUM_KP * MID), lambda i: (0, 0)),
        ],
        out_specs=pl.BlockSpec((BLK2, OUT_FDIM), lambda i: (i, 0)),
        out_shape=jax.ShapeDtypeStruct((N, OUT_FDIM), jnp.float32),
    )(G, qp8, features, W2r, W3, Ws, jnp.asarray(_KPM), jnp.asarray(_E),
      jnp.asarray(_R))


def kernel(query_points, support_points, neighbors_indices, features, W1, W2, W3, Ws):
    sp_aug = jnp.concatenate(
        [support_points,
         jnp.ones((N, 1), jnp.float32),
         jnp.zeros((N, 12), jnp.float32)], axis=1)
    qp8 = jnp.concatenate([query_points, jnp.zeros((N, 5), jnp.float32)], axis=1)
    nidx_flat = jnp.transpose(neighbors_indices).reshape(-1)

    T = _build_table(features, W1, sp_aug)
    G = _sc_gather_fn()(T, nidx_flat)
    W2r = W2.reshape(NUM_KP * MID, MID)
    return _aggregate(G, qp8, features, W2r, W3, Ws)

# --- scband reference (transcript-rebuilt; emitter-appended) ---
"""Pipeline reference for scband-resnetb-block-49435073577388 (READ-ONLY COPY).

The authoritative reference and input builder live on the scoring server;
editing this copy changes nothing except your own understanding.
"""

import jax, jax.numpy as jnp
import numpy as np

NUM_KP = 15
KP_EXTENT = 1.0  # config.KP_extent(1.0) * radius(5.0) / density_parameter(5.0)
N, H, IN_FDIM, OUT_FDIM = 10000, 32, 128, 128
MID = OUT_FDIM // 4


def _kernel_points():
    rng = np.random.RandomState(42)
    kp = rng.uniform(-1.0, 1.0, size=(NUM_KP, 3)).astype(np.float32)
    kp = kp / np.maximum(np.linalg.norm(kp, axis=1, keepdims=True), 1e-6)
    radii = rng.uniform(0.0, 1.0, size=(NUM_KP, 1)).astype(np.float32) ** (1.0 / 3.0)
    kp = kp * radii * 0.66 * KP_EXTENT
    kp[0, :] = 0.0  # fixed center kernel point
    return jnp.asarray(kp)


def _leaky(x):
    return jax.nn.leaky_relu(x, negative_slope=0.1)


def _kpconv(qp, sp, nidx, x, K_values, kp, extent):
    # neighbor offsets relative to query centers: [n, h, 3]
    neighbors = sp[nidx] - qp[:, None, :]
    # differences to each kernel point: [n, h, K, 3]
    diff = neighbors[:, :, None, :] - kp[None, None, :, :]
    sq = jnp.sum(diff * diff, axis=-1)  # [n, h, K]
    # linear KP_influence
    w = jnp.maximum(1.0 - jnp.sqrt(sq + 1e-12) / extent, 0.0)
    nx = x[nidx]  # gather neighbor features: [n, h, c]
    # sum aggregation over neighbors per kernel point: [n, K, c]
    weighted = jnp.einsum('nhk,nhc->nkc', w, nx)
    # apply per-kernel-point weights and sum over kernel points: [n, d]
    return jnp.einsum('nkc,kcd->nd', weighted, K_values)


def setup_inputs(seed: int = 0) -> dict:
    key = jax.random.key(seed)
    ks = jax.random.split(key, 8)

    def wvar(k, size):
        s = np.sqrt(2.0 / size[-1])
        w = jax.random.normal(k, size, dtype=jnp.float32) * s
        return jnp.where(jnp.abs(w) > 2 * s, 0.0, w)  # truncation as in weight_variable

    return {
        'query_points': jax.random.uniform(ks[0], (N, 3), dtype=jnp.float32),
        'support_points': jax.random.uniform(ks[1], (N, 3), dtype=jnp.float32),
        'neighbors_indices': jax.random.randint(ks[2], (N, H), 0, N, dtype=jnp.int32),
        'features': jax.random.normal(ks[3], (N, IN_FDIM), dtype=jnp.float32),
        'W1': wvar(ks[4], (IN_FDIM, MID)),
        'W2': wvar(ks[5], (NUM_KP, MID, MID)),
        'W3': wvar(ks[6], (MID, OUT_FDIM)),
        'Ws': wvar(ks[7], (IN_FDIM, OUT_FDIM)),
    }


def reference(query_points, support_points, neighbors_indices, features, W1, W2, W3, Ws):
    kp = _kernel_points()
    # conv1: unary block (use_batch_norm=False -> just leaky relu)
    x = _leaky(features @ W1)
    # conv2: simple_block KPConv
    x = _leaky(_kpconv(query_points, support_points, neighbors_indices, x, W2, kp, KP_EXTENT))
    # conv3: unary block
    x = _leaky(x @ W3)
    # shortcut (strided=False -> unary on original features)
    shortcut = _leaky(features @ Ws)
    return _leaky(shortcut + x)

if __name__ == "__main__":
    import jax
    _d = setup_inputs()
    print(jax.jit(kernel)(*tuple(_d.values())))

</pallas_src>

<mosaic_0001>
#map = affine_map<(d0, d1) -> (0, 0)>
#map1 = affine_map<(d0, d1) -> (0)>
#map2 = affine_map<(d0, d1) -> (0, 0, 0)>
module attributes {stable_mosaic.version = 14 : i64} {
  func.func @_sc_body(%arg0: i32, %arg1: i32, %arg2: memref<10000x48xf32, #tpu.memory_space<hbm>>, %arg3: memref<320000xi32, #tpu.memory_space<hbm>>, %arg4: memref<32x10000x48xf32, #tpu.memory_space<hbm>>, %arg5: memref<2000xi32, #tpu.memory_space<vmem>>, %arg6: memref<2000x48xf32, #tpu.memory_space<vmem>>, %arg7: memref<!tpu.dma_semaphore, #tpu.memory_space<semaphore_mem>>) attributes {dimension_semantics = [#tpu.dimension_semantics<core_parallel>, #tpu.dimension_semantics<subcore_parallel>], iteration_bounds = array<i64: 2, 16>, scalar_prefetch = 0 : i64, scratch_operands = 3 : i64, tpu.core_type = #tpu.core_type<sc_vector_subcore>, window_params = [{transform_indices = #map}, {transform_indices = #map1}, {transform_indices = #map2}]} {
    %mul3A = arith.constant 2 : i32
    %mul3A_0 = arith.muli %arg1, %mul3A : i32
    %add3A = arith.addi %mul3A_0, %arg0 : i32
    %mul3A_1 = arith.constant 10000 : i32
    %mul3A_2 = arith.muli %add3A, %mul3A_1 : i32
    %add3A_3 = arith.constant 0 : i32
    %add3A_4 = arith.addi %mul3A_2, %add3A_3 : i32
    "tpu.region"() ({
      %run_scoped3A = tpu.sem_alloc : memref<!tpu.dma_semaphore, #tpu.memory_space<semaphore_mem>>
      %dma_start3A_49 = tpu.memref_slice %arg3[%add3A_4] : memref<320000xi32, #tpu.memory_space<hbm>> -> memref<2000xi32, #tpu.memory_space<hbm>>
      %dma_start3A_50 = tpu.memref_slice %arg3[%add3A_4] : memref<320000xi32, #tpu.memory_space<hbm>> -> memref<2000xi32, #tpu.memory_space<hbm>>
      tpu.enqueue_dma source(%dma_start3A_50 : memref<2000xi32, #tpu.memory_space<hbm>>) target(%arg5 : memref<2000xi32, #tpu.memory_space<vmem>>) target_semaphore(%run_scoped3A : memref<!tpu.dma_semaphore, #tpu.memory_space<semaphore_mem>>)
      %dma_wait3A_51 = tpu.memref_slice %arg3[%add3A_4] : memref<320000xi32, #tpu.memory_space<hbm>> -> memref<2000xi32, #tpu.memory_space<hbm>>
      %dma_wait3A_52 = tpu.memref_slice %arg3[%add3A_4] : memref<320000xi32, #tpu.memory_space<hbm>> -> memref<2000xi32, #tpu.memory_space<hbm>>
      tpu.wait_dma2 semaphore(%run_scoped3A : memref<!tpu.dma_semaphore, #tpu.memory_space<semaphore_mem>>) src(%dma_wait3A_52 : memref<2000xi32, #tpu.memory_space<hbm>>) dst(%arg5 : memref<2000xi32, #tpu.memory_space<vmem>>)
      tpu.yield
    }) : () -> ()
    %dma_start3A = arith.constant 0 : i32
    %dma_start3A_5 = arith.constant 0 : i32
    %dma_start3A_6 = tpu.memref_slice %arg2[%dma_start3A, %dma_start3A_5] : memref<10000x48xf32, #tpu.memory_space<hbm>> -> memref<10000x48xf32, #tpu.memory_space<hbm>>
    tpu.enqueue_indirect_dma source(%dma_start3A_6 : memref<10000x48xf32, #tpu.memory_space<hbm>>) target(%arg6 : memref<2000x48xf32, #tpu.memory_space<vmem>>) offsets(%arg5 : memref<2000xi32, #tpu.memory_space<vmem>>) semaphore(%arg7 : memref<!tpu.dma_semaphore, #tpu.memory_space<semaphore_mem>>)
    %dma_wait3A = arith.constant 0 : i32
    %dma_wait3A_7 = arith.constant 0 : i32
    %dma_wait3A_8 = tpu.memref_slice %arg2[%dma_wait3A, %dma_wait3A_7] : memref<10000x48xf32, #tpu.memory_space<hbm>> -> memref<10000x48xf32, #tpu.memory_space<hbm>>
    tpu.wait_indirect_dma semaphore(%arg7 : memref<!tpu.dma_semaphore, #tpu.memory_space<semaphore_mem>>) src(%dma_wait3A_8 : memref<10000x48xf32, #tpu.memory_space<hbm>>) dst(%arg6 : memref<2000x48xf32, #tpu.memory_space<vmem>>)
    "tpu.region"() ({
      %run_scoped3A = tpu.sem_alloc : memref<!tpu.dma_semaphore, #tpu.memory_space<semaphore_mem>>
      %dma_start3A_49 = arith.constant 0 : i32
      %dma_start3A_50 = arith.constant 0 : i32
      %dma_start3A_51 = tpu.memref_slice %arg4[%add3A, %dma_start3A_49, %dma_start3A_50] : memref<32x10000x48xf32, #tpu.memory_space<hbm>> -> memref<1x2000x48xf32, #tpu.memory_space<hbm>>
      %dma_start3A_52 = tpu.memref_squeeze %dma_start3A_51 : memref<1x2000x48xf32, #tpu.memory_space<hbm>> -> memref<2000x48xf32, #tpu.memory_space<hbm>>
      %dma_start3A_53 = arith.constant 0 : i32
      %dma_start3A_54 = arith.constant 0 : i32
      %dma_start3A_55 = tpu.memref_slice %arg4[%add3A, %dma_start3A_53, %dma_start3A_54] : memref<32x10000x48xf32, #tpu.memory_space<hbm>> -> memref<1x2000x48xf32, #tpu.memory_space<hbm>>
      %dma_start3A_56 = tpu.memref_squeeze %dma_start3A_55 : memref<1x2000x48xf32, #tpu.memory_space<hbm>> -> memref<2000x48xf32, #tpu.memory_space<hbm>>
      tpu.enqueue_dma source(%arg6 : memref<2000x48xf32, #tpu.memory_space<vmem>>) target(%dma_start3A_56 : memref<2000x48xf32, #tpu.memory_space<hbm>>) target_semaphore(%run_scoped3A : memref<!tpu.dma_semaphore, #tpu.memory_space<semaphore_mem>>)
      %dma_wait3A_57 = arith.constant 0 : i32
      %dma_wait3A_58 = arith.constant 0 : i32
      %dma_wait3A_59 = tpu.memref_slice %arg4[%add3A, %dma_wait3A_57, %dma_wait3A_58] : memref<32x10000x48xf32, #tpu.memory_space<hbm>> -> memref<1x2000x48xf32, #tpu.memory_space<hbm>>
      %dma_wait3A_60 = tpu.memref_squeeze %dma_wait3A_59 : memref<1x2000x48xf32, #tpu.memory_space<hbm>> -> memref<2000x48xf32, #tpu.memory_space<hbm>>
      %dma_wait3A_61 = arith.constant 0 : i32
      %dma_wait3A_62 = arith.constant 0 : i32
      %dma_wait3A_63 = tpu.memref_slice %arg4[%add3A, %dma_wait3A_61, %dma_wait3A_62] : memref<32x10000x48xf32, #tpu.memory_space<hbm>> -> memref<1x2000x48xf32, #tpu.memory_space<hbm>>
      %dma_wait3A_64 = tpu.memref_squeeze %dma_wait3A_63 : memref<1x2000x48xf32, #tpu.memory_space<hbm>> -> memref<2000x48xf32, #tpu.memory_space<hbm>>
      tpu.wait_dma2 semaphore(%run_scoped3A : memref<!tpu.dma_semaphore, #tpu.memory_space<semaphore_mem>>) src(%arg6 : memref<2000x48xf32, #tpu.memory_space<vmem>>) dst(%dma_wait3A_64 : memref<2000x48xf32, #tpu.memory_space<hbm>>)
      tpu.yield
    }) : () -> ()
    %mul3A_9 = arith.constant 10000 : i32
    %mul3A_10 = arith.muli %add3A, %mul3A_9 : i32
    %add3A_11 = arith.constant 2000 : i32
    %add3A_12 = arith.addi %mul3A_10, %add3A_11 : i32
    "tpu.region"() ({
      %run_scoped3A = tpu.sem_alloc : memref<!tpu.dma_semaphore, #tpu.memory_space<semaphore_mem>>
      %dma_start3A_49 = tpu.memref_slice %arg3[%add3A_12] : memref<320000xi32, #tpu.memory_space<hbm>> -> memref<2000xi32, #tpu.memory_space<hbm>>
      %dma_start3A_50 = tpu.memref_slice %arg3[%add3A_12] : memref<320000xi32, #tpu.memory_space<hbm>> -> memref<2000xi32, #tpu.memory_space<hbm>>
      tpu.enqueue_dma source(%dma_start3A_50 : memref<2000xi32, #tpu.memory_space<hbm>>) target(%arg5 : memref<2000xi32, #tpu.memory_space<vmem>>) target_semaphore(%run_scoped3A : memref<!tpu.dma_semaphore, #tpu.memory_space<semaphore_mem>>)
      %dma_wait3A_51 = tpu.memref_slice %arg3[%add3A_12] : memref<320000xi32, #tpu.memory_space<hbm>> -> memref<2000xi32, #tpu.memory_space<hbm>>
      %dma_wait3A_52 = tpu.memref_slice %arg3[%add3A_12] : memref<320000xi32, #tpu.memory_space<hbm>> -> memref<2000xi32, #tpu.memory_space<hbm>>
      tpu.wait_dma2 semaphore(%run_scoped3A : memref<!tpu.dma_semaphore, #tpu.memory_space<semaphore_mem>>) src(%dma_wait3A_52 : memref<2000xi32, #tpu.memory_space<hbm>>) dst(%arg5 : memref<2000xi32, #tpu.memory_space<vmem>>)
      tpu.yield
    }) : () -> ()
    %dma_start3A_13 = arith.constant 0 : i32
    %dma_start3A_14 = arith.constant 0 : i32
    %dma_start3A_15 = tpu.memref_slice %arg2[%dma_start3A_13, %dma_start3A_14] : memref<10000x48xf32, #tpu.memory_space<hbm>> -> memref<10000x48xf32, #tpu.memory_space<hbm>>
    tpu.enqueue_indirect_dma source(%dma_start3A_15 : memref<10000x48xf32, #tpu.memory_space<hbm>>) target(%arg6 : memref<2000x48xf32, #tpu.memory_space<vmem>>) offsets(%arg5 : memref<2000xi32, #tpu.memory_space<vmem>>) semaphore(%arg7 : memref<!tpu.dma_semaphore, #tpu.memory_space<semaphore_mem>>)
    %dma_wait3A_16 = arith.constant 0 : i32
    %dma_wait3A_17 = arith.constant 0 : i32
    %dma_wait3A_18 = tpu.memref_slice %arg2[%dma_wait3A_16, %dma_wait3A_17] : memref<10000x48xf32, #tpu.memory_space<hbm>> -> memref<10000x48xf32, #tpu.memory_space<hbm>>
    tpu.wait_indirect_dma semaphore(%arg7 : memref<!tpu.dma_semaphore, #tpu.memory_space<semaphore_mem>>) src(%dma_wait3A_18 : memref<10000x48xf32, #tpu.memory_space<hbm>>) dst(%arg6 : memref<2000x48xf32, #tpu.memory_space<vmem>>)
    "tpu.region"() ({
      %run_scoped3A = tpu.sem_alloc : memref<!tpu.dma_semaphore, #tpu.memory_space<semaphore_mem>>
      %dma_start3A_49 = arith.constant 2000 : i32
      %dma_start3A_50 = arith.constant 0 : i32
      %dma_start3A_51 = tpu.memref_slice %arg4[%add3A, %dma_start3A_49, %dma_start3A_50] : memref<32x10000x48xf32, #tpu.memory_space<hbm>> -> memref<1x2000x48xf32, #tpu.memory_space<hbm>>
      %dma_start3A_52 = tpu.memref_squeeze %dma_start3A_51 : memref<1x2000x48xf32, #tpu.memory_space<hbm>> -> memref<2000x48xf32, #tpu.memory_space<hbm>>
      %dma_start3A_53 = arith.constant 2000 : i32
      %dma_start3A_54 = arith.constant 0 : i32
      %dma_start3A_55 = tpu.memref_slice %arg4[%add3A, %dma_start3A_53, %dma_start3A_54] : memref<32x10000x48xf32, #tpu.memory_space<hbm>> -> memref<1x2000x48xf32, #tpu.memory_space<hbm>>
      %dma_start3A_56 = tpu.memref_squeeze %dma_start3A_55 : memref<1x2000x48xf32, #tpu.memory_space<hbm>> -> memref<2000x48xf32, #tpu.memory_space<hbm>>
      tpu.enqueue_dma source(%arg6 : memref<2000x48xf32, #tpu.memory_space<vmem>>) target(%dma_start3A_56 : memref<2000x48xf32, #tpu.memory_space<hbm>>) target_semaphore(%run_scoped3A : memref<!tpu.dma_semaphore, #tpu.memory_space<semaphore_mem>>)
      %dma_wait3A_57 = arith.constant 2000 : i32
      %dma_wait3A_58 = arith.constant 0 : i32
      %dma_wait3A_59 = tpu.memref_slice %arg4[%add3A, %dma_wait3A_57, %dma_wait3A_58] : memref<32x10000x48xf32, #tpu.memory_space<hbm>> -> memref<1x2000x48xf32, #tpu.memory_space<hbm>>
      %dma_wait3A_60 = tpu.memref_squeeze %dma_wait3A_59 : memref<1x2000x48xf32, #tpu.memory_space<hbm>> -> memref<2000x48xf32, #tpu.memory_space<hbm>>
      %dma_wait3A_61 = arith.constant 2000 : i32
      %dma_wait3A_62 = arith.constant 0 : i32
      %dma_wait3A_63 = tpu.memref_slice %arg4[%add3A, %dma_wait3A_61, %dma_wait3A_62] : memref<32x10000x48xf32, #tpu.memory_space<hbm>> -> memref<1x2000x48xf32, #tpu.memory_space<hbm>>
      %dma_wait3A_64 = tpu.memref_squeeze %dma_wait3A_63 : memref<1x2000x48xf32, #tpu.memory_space<hbm>> -> memref<2000x48xf32, #tpu.memory_space<hbm>>
      tpu.wait_dma2 semaphore(%run_scoped3A : memref<!tpu.dma_semaphore, #tpu.memory_space<semaphore_mem>>) src(%arg6 : memref<2000x48xf32, #tpu.memory_space<vmem>>) dst(%dma_wait3A_64 : memref<2000x48xf32, #tpu.memory_space<hbm>>)
      tpu.yield
    }) : () -> ()
    %mul3A_19 = arith.constant 10000 : i32
    %mul3A_20 = arith.muli %add3A, %mul3A_19 : i32
    %add3A_21 = arith.constant 4000 : i32
    %add3A_22 = arith.addi %mul3A_20, %add3A_21 : i32
    "tpu.region"() ({
      %run_scoped3A = tpu.sem_alloc : memref<!tpu.dma_semaphore, #tpu.memory_space<semaphore_mem>>
      %dma_start3A_49 = tpu.memref_slice %arg3[%add3A_22] : memref<320000xi32, #tpu.memory_space<hbm>> -> memref<2000xi32, #tpu.memory_space<hbm>>
      %dma_start3A_50 = tpu.memref_slice %arg3[%add3A_22] : memref<320000xi32, #tpu.memory_space<hbm>> -> memref<2000xi32, #tpu.memory_space<hbm>>
      tpu.enqueue_dma source(%dma_start3A_50 : memref<2000xi32, #tpu.memory_space<hbm>>) target(%arg5 : memref<2000xi32, #tpu.memory_space<vmem>>) target_semaphore(%run_scoped3A : memref<!tpu.dma_semaphore, #tpu.memory_space<semaphore_mem>>)
      %dma_wait3A_51 = tpu.memref_slice %arg3[%add3A_22] : memref<320000xi32, #tpu.memory_space<hbm>> -> memref<2000xi32, #tpu.memory_space<hbm>>
      %dma_wait3A_52 = tpu.memref_slice %arg3[%add3A_22] : memref<320000xi32, #tpu.memory_space<hbm>> -> memref<2000xi32, #tpu.memory_space<hbm>>
      tpu.wait_dma2 semaphore(%run_scoped3A : memref<!tpu.dma_semaphore, #tpu.memory_space<semaphore_mem>>) src(%dma_wait3A_52 : memref<2000xi32, #tpu.memory_space<hbm>>) dst(%arg5 : memref<2000xi32, #tpu.memory_space<vmem>>)
      tpu.yield
    }) : () -> ()
    %dma_start3A_23 = arith.constant 0 : i32
    %dma_start3A_24 = arith.constant 0 : i32
    %dma_start3A_25 = tpu.memref_slice %arg2[%dma_start3A_23, %dma_start3A_24] : memref<10000x48xf32, #tpu.memory_space<hbm>> -> memref<10000x48xf32, #tpu.memory_space<hbm>>
    tpu.enqueue_indirect_dma source(%dma_start3A_25 : memref<10000x48xf32, #tpu.memory_space<hbm>>) target(%arg6 : memref<2000x48xf32, #tpu.memory_space<vmem>>) offsets(%arg5 : memref<2000xi32, #tpu.memory_space<vmem>>) semaphore(%arg7 : memref<!tpu.dma_semaphore, #tpu.memory_space<semaphore_mem>>)
    %dma_wait3A_26 = arith.constant 0 : i32
    %dma_wait3A_27 = arith.constant 0 : i32
    %dma_wait3A_28 = tpu.memref_slice %arg2[%dma_wait3A_26, %dma_wait3A_27] : memref<10000x48xf32, #tpu.memory_space<hbm>> -> memref<10000x48xf32, #tpu.memory_space<hbm>>
    tpu.wait_indirect_dma semaphore(%arg7 : memref<!tpu.dma_semaphore, #tpu.memory_space<semaphore_mem>>) src(%dma_wait3A_28 : memref<10000x48xf32, #tpu.memory_space<hbm>>) dst(%arg6 : memref<2000x48xf32, #tpu.memory_space<vmem>>)
    "tpu.region"() ({
      %run_scoped3A = tpu.sem_alloc : memref<!tpu.dma_semaphore, #tpu.memory_space<semaphore_mem>>
      %dma_start3A_49 = arith.constant 4000 : i32
      %dma_start3A_50 = arith.constant 0 : i32
      %dma_start3A_51 = tpu.memref_slice %arg4[%add3A, %dma_start3A_49, %dma_start3A_50] : memref<32x10000x48xf32, #tpu.memory_space<hbm>> -> memref<1x2000x48xf32, #tpu.memory_space<hbm>>
      %dma_start3A_52 = tpu.memref_squeeze %dma_start3A_51 : memref<1x2000x48xf32, #tpu.memory_space<hbm>> -> memref<2000x48xf32, #tpu.memory_space<hbm>>
      %dma_start3A_53 = arith.constant 4000 : i32
      %dma_start3A_54 = arith.constant 0 : i32
      %dma_start3A_55 = tpu.memref_slice %arg4[%add3A, %dma_start3A_53, %dma_start3A_54] : memref<32x10000x48xf32, #tpu.memory_space<hbm>> -> memref<1x2000x48xf32, #tpu.memory_space<hbm>>
      %dma_start3A_56 = tpu.memref_squeeze %dma_start3A_55 : memref<1x2000x48xf32, #tpu.memory_space<hbm>> -> memref<2000x48xf32, #tpu.memory_space<hbm>>
      tpu.enqueue_dma source(%arg6 : memref<2000x48xf32, #tpu.memory_space<vmem>>) target(%dma_start3A_56 : memref<2000x48xf32, #tpu.memory_space<hbm>>) target_semaphore(%run_scoped3A : memref<!tpu.dma_semaphore, #tpu.memory_space<semaphore_mem>>)
      %dma_wait3A_57 = arith.constant 4000 : i32
      %dma_wait3A_58 = arith.constant 0 : i32
      %dma_wait3A_59 = tpu.memref_slice %arg4[%add3A, %dma_wait3A_57, %dma_wait3A_58] : memref<32x10000x48xf32, #tpu.memory_space<hbm>> -> memref<1x2000x48xf32, #tpu.memory_space<hbm>>
      %dma_wait3A_60 = tpu.memref_squeeze %dma_wait3A_59 : memref<1x2000x48xf32, #tpu.memory_space<hbm>> -> memref<2000x48xf32, #tpu.memory_space<hbm>>
      %dma_wait3A_61 = arith.constant 4000 : i32
      %dma_wait3A_62 = arith.constant 0 : i32
      %dma_wait3A_63 = tpu.memref_slice %arg4[%add3A, %dma_wait3A_61, %dma_wait3A_62] : memref<32x10000x48xf32, #tpu.memory_space<hbm>> -> memref<1x2000x48xf32, #tpu.memory_space<hbm>>
      %dma_wait3A_64 = tpu.memref_squeeze %dma_wait3A_63 : memref<1x2000x48xf32, #tpu.memory_space<hbm>> -> memref<2000x48xf32, #tpu.memory_space<hbm>>
      tpu.wait_dma2 semaphore(%run_scoped3A : memref<!tpu.dma_semaphore, #tpu.memory_space<semaphore_mem>>) src(%arg6 : memref<2000x48xf32, #tpu.memory_space<vmem>>) dst(%dma_wait3A_64 : memref<2000x48xf32, #tpu.memory_space<hbm>>)
      tpu.yield
    }) : () -> ()
    %mul3A_29 = arith.constant 10000 : i32
    %mul3A_30 = arith.muli %add3A, %mul3A_29 : i32
    %add3A_31 = arith.constant 6000 : i32
    %add3A_32 = arith.addi %mul3A_30, %add3A_31 : i32
    "tpu.region"() ({
      %run_scoped3A = tpu.sem_alloc : memref<!tpu.dma_semaphore, #tpu.memory_space<semaphore_mem>>
      %dma_start3A_49 = tpu.memref_slice %arg3[%add3A_32] : memref<320000xi32, #tpu.memory_space<hbm>> -> memref<2000xi32, #tpu.memory_space<hbm>>
      %dma_start3A_50 = tpu.memref_slice %arg3[%add3A_32] : memref<320000xi32, #tpu.memory_space<hbm>> -> memref<2000xi32, #tpu.memory_space<hbm>>
      tpu.enqueue_dma source(%dma_start3A_50 : memref<2000xi32, #tpu.memory_space<hbm>>) target(%arg5 : memref<2000xi32, #tpu.memory_space<vmem>>) target_semaphore(%run_scoped3A : memref<!tpu.dma_semaphore, #tpu.memory_space<semaphore_mem>>)
      %dma_wait3A_51 = tpu.memref_slice %arg3[%add3A_32] : memref<320000xi32, #tpu.memory_space<hbm>> -> memref<2000xi32, #tpu.memory_space<hbm>>
      %dma_wait3A_52 = tpu.memref_slice %arg3[%add3A_32] : memref<320000xi32, #tpu.memory_space<hbm>> -> memref<2000xi32, #tpu.memory_space<hbm>>
      tpu.wait_dma2 semaphore(%run_scoped3A : memref<!tpu.dma_semaphore, #tpu.memory_space<semaphore_mem>>) src(%dma_wait3A_52 : memref<2000xi32, #tpu.memory_space<hbm>>) dst(%arg5 : memref<2000xi32, #tpu.memory_space<vmem>>)
      tpu.yield
    }) : () -> ()
    %dma_start3A_33 = arith.constant 0 : i32
    %dma_start3A_34 = arith.constant 0 : i32
    %dma_start3A_35 = tpu.memref_slice %arg2[%dma_start3A_33, %dma_start3A_34] : memref<10000x48xf32, #tpu.memory_space<hbm>> -> memref<10000x48xf32, #tpu.memory_space<hbm>>
    tpu.enqueue_indirect_dma source(%dma_start3A_35 : memref<10000x48xf32, #tpu.memory_space<hbm>>) target(%arg6 : memref<2000x48xf32, #tpu.memory_space<vmem>>) offsets(%arg5 : memref<2000xi32, #tpu.memory_space<vmem>>) semaphore(%arg7 : memref<!tpu.dma_semaphore, #tpu.memory_space<semaphore_mem>>)
    %dma_wait3A_36 = arith.constant 0 : i32
    %dma_wait3A_37 = arith.constant 0 : i32
    %dma_wait3A_38 = tpu.memref_slice %arg2[%dma_wait3A_36, %dma_wait3A_37] : memref<10000x48xf32, #tpu.memory_space<hbm>> -> memref<10000x48xf32, #tpu.memory_space<hbm>>
    tpu.wait_indirect_dma semaphore(%arg7 : memref<!tpu.dma_semaphore, #tpu.memory_space<semaphore_mem>>) src(%dma_wait3A_38 : memref<10000x48xf32, #tpu.memory_space<hbm>>) dst(%arg6 : memref<2000x48xf32, #tpu.memory_space<vmem>>)
    "tpu.region"() ({
      %run_scoped3A = tpu.sem_alloc : memref<!tpu.dma_semaphore, #tpu.memory_space<semaphore_mem>>
      %dma_start3A_49 = arith.constant 6000 : i32
      %dma_start3A_50 = arith.constant 0 : i32
      %dma_start3A_51 = tpu.memref_slice %arg4[%add3A, %dma_start3A_49, %dma_start3A_50] : memref<32x10000x48xf32, #tpu.memory_space<hbm>> -> memref<1x2000x48xf32, #tpu.memory_space<hbm>>
      %dma_start3A_52 = tpu.memref_squeeze %dma_start3A_51 : memref<1x2000x48xf32, #tpu.memory_space<hbm>> -> memref<2000x48xf32, #tpu.memory_space<hbm>>
      %dma_start3A_53 = arith.constant 6000 : i32
      %dma_start3A_54 = arith.constant 0 : i32
      %dma_start3A_55 = tpu.memref_slice %arg4[%add3A, %dma_start3A_53, %dma_start3A_54] : memref<32x10000x48xf32, #tpu.memory_space<hbm>> -> memref<1x2000x48xf32, #tpu.memory_space<hbm>>
      %dma_start3A_56 = tpu.memref_squeeze %dma_start3A_55 : memref<1x2000x48xf32, #tpu.memory_space<hbm>> -> memref<2000x48xf32, #tpu.memory_space<hbm>>
      tpu.enqueue_dma source(%arg6 : memref<2000x48xf32, #tpu.memory_space<vmem>>) target(%dma_start3A_56 : memref<2000x48xf32, #tpu.memory_space<hbm>>) target_semaphore(%run_scoped3A : memref<!tpu.dma_semaphore, #tpu.memory_space<semaphore_mem>>)
      %dma_wait3A_57 = arith.constant 6000 : i32
      %dma_wait3A_58 = arith.constant 0 : i32
      %dma_wait3A_59 = tpu.memref_slice %arg4[%add3A, %dma_wait3A_57, %dma_wait3A_58] : memref<32x10000x48xf32, #tpu.memory_space<hbm>> -> memref<1x2000x48xf32, #tpu.memory_space<hbm>>
      %dma_wait3A_60 = tpu.memref_squeeze %dma_wait3A_59 : memref<1x2000x48xf32, #tpu.memory_space<hbm>> -> memref<2000x48xf32, #tpu.memory_space<hbm>>
      %dma_wait3A_61 = arith.constant 6000 : i32
      %dma_wait3A_62 = arith.constant 0 : i32
      %dma_wait3A_63 = tpu.memref_slice %arg4[%add3A, %dma_wait3A_61, %dma_wait3A_62] : memref<32x10000x48xf32, #tpu.memory_space<hbm>> -> memref<1x2000x48xf32, #tpu.memory_space<hbm>>
      %dma_wait3A_64 = tpu.memref_squeeze %dma_wait3A_63 : memref<1x2000x48xf32, #tpu.memory_space<hbm>> -> memref<2000x48xf32, #tpu.memory_space<hbm>>
      tpu.wait_dma2 semaphore(%run_scoped3A : memref<!tpu.dma_semaphore, #tpu.memory_space<semaphore_mem>>) src(%arg6 : memref<2000x48xf32, #tpu.memory_space<vmem>>) dst(%dma_wait3A_64 : memref<2000x48xf32, #tpu.memory_space<hbm>>)
      tpu.yield
    }) : () -> ()
    %mul3A_39 = arith.constant 10000 : i32
    %mul3A_40 = arith.muli %add3A, %mul3A_39 : i32
    %add3A_41 = arith.constant 8000 : i32
    %add3A_42 = arith.addi %mul3A_40, %add3A_41 : i32
    "tpu.region"() ({
      %run_scoped3A = tpu.sem_alloc : memref<!tpu.dma_semaphore, #tpu.memory_space<semaphore_mem>>
      %dma_start3A_49 = tpu.memref_slice %arg3[%add3A_42] : memref<320000xi32, #tpu.memory_space<hbm>> -> memref<2000xi32, #tpu.memory_space<hbm>>
      %dma_start3A_50 = tpu.memref_slice %arg3[%add3A_42] : memref<320000xi32, #tpu.memory_space<hbm>> -> memref<2000xi32, #tpu.memory_space<hbm>>
      tpu.enqueue_dma source(%dma_start3A_50 : memref<2000xi32, #tpu.memory_space<hbm>>) target(%arg5 : memref<2000xi32, #tpu.memory_space<vmem>>) target_semaphore(%run_scoped3A : memref<!tpu.dma_semaphore, #tpu.memory_space<semaphore_mem>>)
      %dma_wait3A_51 = tpu.memref_slice %arg3[%add3A_42] : memref<320000xi32, #tpu.memory_space<hbm>> -> memref<2000xi32, #tpu.memory_space<hbm>>
      %dma_wait3A_52 = tpu.memref_slice %arg3[%add3A_42] : memref<320000xi32, #tpu.memory_space<hbm>> -> memref<2000xi32, #tpu.memory_space<hbm>>
      tpu.wait_dma2 semaphore(%run_scoped3A : memref<!tpu.dma_semaphore, #tpu.memory_space<semaphore_mem>>) src(%dma_wait3A_52 : memref<2000xi32, #tpu.memory_space<hbm>>) dst(%arg5 : memref<2000xi32, #tpu.memory_space<vmem>>)
      tpu.yield
    }) : () -> ()
    %dma_start3A_43 = arith.constant 0 : i32
    %dma_start3A_44 = arith.constant 0 : i32
    %dma_start3A_45 = tpu.memref_slice %arg2[%dma_start3A_43, %dma_start3A_44] : memref<10000x48xf32, #tpu.memory_space<hbm>> -> memref<10000x48xf32, #tpu.memory_space<hbm>>
    tpu.enqueue_indirect_dma source(%dma_start3A_45 : memref<10000x48xf32, #tpu.memory_space<hbm>>) target(%arg6 : memref<2000x48xf32, #tpu.memory_space<vmem>>) offsets(%arg5 : memref<2000xi32, #tpu.memory_space<vmem>>) semaphore(%arg7 : memref<!tpu.dma_semaphore, #tpu.memory_space<semaphore_mem>>)
    %dma_wait3A_46 = arith.constant 0 : i32
    %dma_wait3A_47 = arith.constant 0 : i32
    %dma_wait3A_48 = tpu.memref_slice %arg2[%dma_wait3A_46, %dma_wait3A_47] : memref<10000x48xf32, #tpu.memory_space<hbm>> -> memref<10000x48xf32, #tpu.memory_space<hbm>>
    tpu.wait_indirect_dma semaphore(%arg7 : memref<!tpu.dma_semaphore, #tpu.memory_space<semaphore_mem>>) src(%dma_wait3A_48 : memref<10000x48xf32, #tpu.memory_space<hbm>>) dst(%arg6 : memref<2000x48xf32, #tpu.memory_space<vmem>>)
    "tpu.region"() ({
      %run_scoped3A = tpu.sem_alloc : memref<!tpu.dma_semaphore, #tpu.memory_space<semaphore_mem>>
      %dma_start3A_49 = arith.constant 8000 : i32
      %dma_start3A_50 = arith.constant 0 : i32
      %dma_start3A_51 = tpu.memref_slice %arg4[%add3A, %dma_start3A_49, %dma_start3A_50] : memref<32x10000x48xf32, #tpu.memory_space<hbm>> -> memref<1x2000x48xf32, #tpu.memory_space<hbm>>
      %dma_start3A_52 = tpu.memref_squeeze %dma_start3A_51 : memref<1x2000x48xf32, #tpu.memory_space<hbm>> -> memref<2000x48xf32, #tpu.memory_space<hbm>>
      %dma_start3A_53 = arith.constant 8000 : i32
      %dma_start3A_54 = arith.constant 0 : i32
      %dma_start3A_55 = tpu.memref_slice %arg4[%add3A, %dma_start3A_53, %dma_start3A_54] : memref<32x10000x48xf32, #tpu.memory_space<hbm>> -> memref<1x2000x48xf32, #tpu.memory_space<hbm>>
      %dma_start3A_56 = tpu.memref_squeeze %dma_start3A_55 : memref<1x2000x48xf32, #tpu.memory_space<hbm>> -> memref<2000x48xf32, #tpu.memory_space<hbm>>
      tpu.enqueue_dma source(%arg6 : memref<2000x48xf32, #tpu.memory_space<vmem>>) target(%dma_start3A_56 : memref<2000x48xf32, #tpu.memory_space<hbm>>) target_semaphore(%run_scoped3A : memref<!tpu.dma_semaphore, #tpu.memory_space<semaphore_mem>>)
      %dma_wait3A_57 = arith.constant 8000 : i32
      %dma_wait3A_58 = arith.constant 0 : i32
      %dma_wait3A_59 = tpu.memref_slice %arg4[%add3A, %dma_wait3A_57, %dma_wait3A_58] : memref<32x10000x48xf32, #tpu.memory_space<hbm>> -> memref<1x2000x48xf32, #tpu.memory_space<hbm>>
      %dma_wait3A_60 = tpu.memref_squeeze %dma_wait3A_59 : memref<1x2000x48xf32, #tpu.memory_space<hbm>> -> memref<2000x48xf32, #tpu.memory_space<hbm>>
      %dma_wait3A_61 = arith.constant 8000 : i32
      %dma_wait3A_62 = arith.constant 0 : i32
      %dma_wait3A_63 = tpu.memref_slice %arg4[%add3A, %dma_wait3A_61, %dma_wait3A_62] : memref<32x10000x48xf32, #tpu.memory_space<hbm>> -> memref<1x2000x48xf32, #tpu.memory_space<hbm>>
      %dma_wait3A_64 = tpu.memref_squeeze %dma_wait3A_63 : memref<1x2000x48xf32, #tpu.memory_space<hbm>> -> memref<2000x48xf32, #tpu.memory_space<hbm>>
      tpu.wait_dma2 semaphore(%run_scoped3A : memref<!tpu.dma_semaphore, #tpu.memory_space<semaphore_mem>>) src(%arg6 : memref<2000x48xf32, #tpu.memory_space<vmem>>) dst(%dma_wait3A_64 : memref<2000x48xf32, #tpu.memory_space<hbm>>)
      tpu.yield
    }) : () -> ()
    return
  }
}

module attributes {stable_mosaic.version = 14 : i64} {
  func.func @_tc1_body(%arg0: i32, %arg1: memref<2000x128xf32, #tpu.memory_space<vmem>>, %arg2: memref<128x32xf32, #tpu.memory_space<vmem>>, %arg3: memref<2000x16xf32, #tpu.memory_space<vmem>>, %arg4: memref<2000x48xf32, #tpu.memory_space<vmem>>) attributes {dimension_semantics = [#tpu.dimension_semantics<arbitrary>], iteration_bounds = array<i64: 5>, scalar_prefetch = 0 : i64, scratch_operands = 0 : i64, tpu.core_type = #tpu.core_type<tc>, window_params = [{transform_indices = @transform_0, window_bounds = array<i64: 2000, 128>}, {pipeline_mode = #tpu.pipeline_mode<synchronous>, transform_indices = @transform_1, window_bounds = array<i64: 128, 32>}, {transform_indices = @transform_2, window_bounds = array<i64: 2000, 16>}, {transform_indices = @transform_3, window_bounds = array<i64: 2000, 48>}]} {
    %get3A = arith.constant 0 : index
    %get3A_0 = arith.constant 0 : index
    %get3A_1 = vector.load %arg1[%get3A, %get3A_0] : memref<2000x128xf32, #tpu.memory_space<vmem>>, vector<2000x128xf32>
    %get3A_2 = arith.constant 0 : index
    %get3A_3 = arith.constant 0 : index
    %get3A_4 = vector.load %arg2[%get3A_2, %get3A_3] : memref<128x32xf32, #tpu.memory_space<vmem>>, vector<128x32xf32>
    %dot_general3A = arith.constant dense<0.000000e+00> : vector<2000x32xf32>
    %dot_general3A_5 = tpu.matmul %get3A_1, %get3A_4, %dot_general3A {dimension_numbers = #tpu.dot_dimension_numbers<[1], [0], [0], [1], [0, 0, 1, 1], [], []>, precision = #tpu.contract_precision<fp32>, transpose_lhs_hint = false} : vector<2000x128xf32>, vector<128x32xf32>, vector<2000x32xf32> -> vector<2000x32xf32>
    %jit3A = arith.constant 1.000000e-01 : f32
    %ge3A = arith.constant 0.000000e+00 : f32
    %ge3A_6 = vector.broadcast %ge3A : f32 to vector<2000x32xf32>
    %ge3A_7 = arith.cmpf oge, %dot_general3A_5, %ge3A_6 : vector<2000x32xf32>
    %mul3A = vector.broadcast %jit3A : f32 to vector<2000x32xf32>
    %mul3A_8 = arith.mulf %mul3A, %dot_general3A_5 : vector<2000x32xf32>
    %select_n3A = arith.select %ge3A_7, %dot_general3A_5, %mul3A_8 : vector<2000x32xi1>, vector<2000x32xf32>
    %get3A_9 = arith.constant 0 : index
    %get3A_10 = arith.constant 0 : index
    %get3A_11 = vector.load %arg3[%get3A_9, %get3A_10] : memref<2000x16xf32, #tpu.memory_space<vmem>>, vector<2000x16xf32>
    %concatenate3A = tpu.concatenate %select_n3A, %get3A_11 in 1 : vector<2000x32xf32>, vector<2000x16xf32> -> vector<2000x48xf32>
    %swap3A = arith.constant 0 : index
    %swap3A_12 = arith.constant 0 : index
    %swap3A_13 = vector.load %arg4[%swap3A, %swap3A_12] : memref<2000x48xf32, #tpu.memory_space<vmem>>, vector<2000x48xf32>
    tpu.vector_store %arg4[%swap3A, %swap3A_12], %concatenate3A {strides = array<i32>} : memref<2000x48xf32, #tpu.memory_space<vmem>>, vector<2000x48xf32>,
    return
  }
  func.func @transform_0(%arg0: i32) -> (i32, i32) {
    %c0_i32 = arith.constant 0 : i32
    %c0_i32_0 = arith.constant 0 : i32
    return %arg0, %c0_i32 : i32, i32
  }
  func.func @transform_1(%arg0: i32) -> (i32, i32) {
    %c0_i32 = arith.constant 0 : i32
    %c0_i32_0 = arith.constant 0 : i32
    %c0_i32_1 = arith.constant 0 : i32
    return %c0_i32, %c0_i32_0 : i32, i32
  }
  func.func @transform_2(%arg0: i32) -> (i32, i32) {
    %c0_i32 = arith.constant 0 : i32
    %c0_i32_0 = arith.constant 0 : i32
    return %arg0, %c0_i32 : i32, i32
  }
  func.func @transform_3(%arg0: i32) -> (i32, i32) {
    %c0_i32 = arith.constant 0 : i32
    %c0_i32_0 = arith.constant 0 : i32
    return %arg0, %c0_i32 : i32, i32
  }
}

module attributes {stable_mosaic.version = 14 : i64} {
  func.func @_tc2_body(%arg0: i32, %arg1: memref<32x400x48xf32, #tpu.memory_space<vmem>>, %arg2: memref<400x8xf32, #tpu.memory_space<vmem>>, %arg3: memref<400x128xf32, #tpu.memory_space<vmem>>, %arg4: memref<480x32xf32, #tpu.memory_space<vmem>>, %arg5: memref<32x128xf32, #tpu.memory_space<vmem>>, %arg6: memref<128x128xf32, #tpu.memory_space<vmem>>, %arg7: memref<8x16xf32, #tpu.memory_space<vmem>>, %arg8: memref<16x480xf32, #tpu.memory_space<vmem>>, %arg9: memref<32x480xf32, #tpu.memory_space<vmem>>, %arg10: memref<400x128xf32, #tpu.memory_space<vmem>>) attributes {dimension_semantics = [#tpu.dimension_semantics<arbitrary>], iteration_bounds = array<i64: 25>, scalar_prefetch = 0 : i64, scratch_operands = 0 : i64, tpu.core_type = #tpu.core_type<tc>, window_params = [{transform_indices = @transform_0, window_bounds = array<i64: 32, 400, 48>}, {transform_indices = @transform_1, window_bounds = array<i64: 400, 8>}, {transform_indices = @transform_2, window_bounds = array<i64: 400, 128>}, {pipeline_mode = #tpu.pipeline_mode<synchronous>, transform_indices = @transform_3, window_bounds = array<i64: 480, 32>}, {pipeline_mode = #tpu.pipeline_mode<synchronous>, transform_indices = @transform_4, window_bounds = array<i64: 32, 128>}, {pipeline_mode = #tpu.pipeline_mode<synchronous>, transform_indices = @transform_5, window_bounds = array<i64: 128, 128>}, {pipeline_mode = #tpu.pipeline_mode<synchronous>, transform_indices = @transform_6, window_bounds = array<i64: 8, 16>}, {pipeline_mode = #tpu.pipeline_mode<synchronous>, transform_indices = @transform_7, window_bounds = array<i64: 16, 480>}, {pipeline_mode = #tpu.pipeline_mode<synchronous>, transform_indices = @transform_8, window_bounds = array<i64: 32, 480>}, {transform_indices = @transform_9, window_bounds = array<i64: 400, 128>}]} {
    %get3A = arith.constant 0 : index
    %get3A_0 = arith.constant 0 : index
    %get3A_1 = vector.load %arg2[%get3A, %get3A_0] : memref<400x8xf32, #tpu.memory_space<vmem>>, vector<400x8xf32>
    %broadcast_in_dim3A = arith.constant 0.000000e+00 : f32
    %broadcast_in_dim3A_2 = vector.broadcast %broadcast_in_dim3A : f32 to vector<400x480xf32>
    %get3A_3 = arith.constant 0 : index
    %get3A_4 = arith.constant 0 : index
    %get3A_5 = arith.constant 0 : index
    %get3A_6 = vector.load %arg1[%get3A_3, %get3A_4, %get3A_5] : memref<32x400x48xf32, #tpu.memory_space<vmem>>, vector<1x400x48xf32>
    %get3A_7 = vector.shape_cast %get3A_6 : vector<1x400x48xf32> to vector<400x48xf32>
    %slice3A = vector.extract_strided_slice %get3A_7 {offsets = [0, 32], sizes = [400, 8], strides = [1, 1]} : vector<400x48xf32> to vector<400x8xf32>
    %sub3A = arith.subf %slice3A, %get3A_1 : vector<400x8xf32>
    %mul3A = arith.mulf %sub3A, %sub3A : vector<400x8xf32>
    %reduce_sum3A = arith.constant dense<0.000000e+00> : vector<400xf32>
    %reduce_sum3A_8 = vector.multi_reduction <add>, %mul3A, %reduce_sum3A [1] : vector<400x8xf32> to vector<400xf32>
    %broadcast_in_dim3A_9 = vector.shape_cast %reduce_sum3A_8 : vector<400xf32> to vector<400x1xf32>
    %sub3A_10 = arith.constant 1.000000e+00 : f32
    %sub3A_11 = vector.broadcast %sub3A_10 : f32 to vector<400x1xf32>
    %sub3A_12 = arith.subf %broadcast_in_dim3A_9, %sub3A_11 : vector<400x1xf32>
    %get3A_13 = arith.constant 0 : index
    %get3A_14 = arith.constant 0 : index
    %get3A_15 = vector.load %arg7[%get3A_13, %get3A_14] : memref<8x16xf32, #tpu.memory_space<vmem>>, vector<8x16xf32>
    %dot_general3A = arith.constant dense<0.000000e+00> : vector<400x16xf32>
    %dot_general3A_16 = tpu.matmul %sub3A, %get3A_15, %dot_general3A {dimension_numbers = #tpu.dot_dimension_numbers<[1], [0], [0], [1], [0, 0, 1, 1], [], []>, precision = #tpu.contract_precision<fp32>, transpose_lhs_hint = false} : vector<400x8xf32>, vector<8x16xf32>, vector<400x16xf32> -> vector<400x16xf32>
    %mul3A_17 = arith.constant 2.000000e+00 : f32
    %mul3A_18 = vector.broadcast %mul3A_17 : f32 to vector<400x16xf32>
    %mul3A_19 = arith.mulf %mul3A_18, %dot_general3A_16 : vector<400x16xf32>
    %sub3A_20 = vector.broadcast %sub3A_12 : vector<400x1xf32> to vector<400x16xf32>
    %sub3A_21 = arith.subf %sub3A_20, %mul3A_19 : vector<400x16xf32>
    %max3A = arith.constant 0.000000e+00 : f32
    %max3A_22 = vector.broadcast %max3A : f32 to vector<400x16xf32>
    %max3A_23 = arith.maximumf %sub3A_21, %max3A_22 : vector<400x16xf32>
    %add3A = arith.constant 9.99999996E-13 : f32
    %add3A_24 = vector.broadcast %add3A : f32 to vector<400x16xf32>
    %add3A_25 = arith.addf %max3A_23, %add3A_24 : vector<400x16xf32>
    %sqrt3A = math.sqrt %add3A_25 : vector<400x16xf32>
    %sub3A_26 = arith.constant 1.000000e+00 : f32
    %sub3A_27 = vector.broadcast %sub3A_26 : f32 to vector<400x16xf32>
    %sub3A_28 = arith.subf %sub3A_27, %sqrt3A : vector<400x16xf32>
    %max3A_29 = arith.constant 0.000000e+00 : f32
    %max3A_30 = vector.broadcast %max3A_29 : f32 to vector<400x16xf32>
    %max3A_31 = arith.maximumf %sub3A_28, %max3A_30 : vector<400x16xf32>
    %slice3A_32 = vector.extract_strided_slice %get3A_7 {offsets = [0, 0], sizes = [400, 32], strides = [1, 1]} : vector<400x48xf32> to vector<400x32xf32>
    %get3A_33 = arith.constant 0 : index
    %get3A_34 = arith.constant 0 : index
    %get3A_35 = vector.load %arg8[%get3A_33, %get3A_34] : memref<16x480xf32, #tpu.memory_space<vmem>>, vector<16x480xf32>
    %dot_general3A_36 = arith.constant dense<0.000000e+00> : vector<400x480xf32>
    %dot_general3A_37 = tpu.matmul %max3A_31, %get3A_35, %dot_general3A_36 {dimension_numbers = #tpu.dot_dimension_numbers<[1], [0], [0], [1], [0, 0, 1, 1], [], []>, precision = #tpu.contract_precision<fp32>, transpose_lhs_hint = false} : vector<400x16xf32>, vector<16x480xf32>, vector<400x480xf32> -> vector<400x480xf32>
    %get3A_38 = arith.constant 0 : index
    %get3A_39 = arith.constant 0 : index
    %get3A_40 = vector.load %arg9[%get3A_38, %get3A_39] : memref<32x480xf32, #tpu.memory_space<vmem>>, vector<32x480xf32>
    %dot_general3A_41 = arith.constant dense<0.000000e+00> : vector<400x480xf32>
    %dot_general3A_42 = tpu.matmul %slice3A_32, %get3A_40, %dot_general3A_41 {dimension_numbers = #tpu.dot_dimension_numbers<[1], [0], [0], [1], [0, 0, 1, 1], [], []>, precision = #tpu.contract_precision<fp32>, transpose_lhs_hint = false} : vector<400x32xf32>, vector<32x480xf32>, vector<400x480xf32> -> vector<400x480xf32>
    %mul3A_43 = arith.mulf %dot_general3A_37, %dot_general3A_42 : vector<400x480xf32>
    %add3A_44 = arith.addf %broadcast_in_dim3A_2, %mul3A_43 : vector<400x480xf32>
    %get3A_45 = arith.constant 1 : index
    %get3A_46 = arith.constant 0 : index
    %get3A_47 = arith.constant 0 : index
    %get3A_48 = vector.load %arg1[%get3A_45, %get3A_46, %get3A_47] : memref<32x400x48xf32, #tpu.memory_space<vmem>>, vector<1x400x48xf32>
    %get3A_49 = vector.shape_cast %get3A_48 : vector<1x400x48xf32> to vector<400x48xf32>
    %slice3A_50 = vector.extract_strided_slice %get3A_49 {offsets = [0, 32], sizes = [400, 8], strides = [1, 1]} : vector<400x48xf32> to vector<400x8xf32>
    %sub3A_51 = arith.subf %slice3A_50, %get3A_1 : vector<400x8xf32>
    %mul3A_52 = arith.mulf %sub3A_51, %sub3A_51 : vector<400x8xf32>
    %reduce_sum3A_53 = arith.constant dense<0.000000e+00> : vector<400xf32>
    %reduce_sum3A_54 = vector.multi_reduction <add>, %mul3A_52, %reduce_sum3A_53 [1] : vector<400x8xf32> to vector<400xf32>
    %broadcast_in_dim3A_55 = vector.shape_cast %reduce_sum3A_54 : vector<400xf32> to vector<400x1xf32>
    %sub3A_56 = arith.constant 1.000000e+00 : f32
    %sub3A_57 = vector.broadcast %sub3A_56 : f32 to vector<400x1xf32>
    %sub3A_58 = arith.subf %broadcast_in_dim3A_55, %sub3A_57 : vector<400x1xf32>
    %get3A_59 = arith.constant 0 : index
    %get3A_60 = arith.constant 0 : index
    %get3A_61 = vector.load %arg7[%get3A_59, %get3A_60] : memref<8x16xf32, #tpu.memory_space<vmem>>, vector<8x16xf32>
    %dot_general3A_62 = arith.constant dense<0.000000e+00> : vector<400x16xf32>
    %dot_general3A_63 = tpu.matmul %sub3A_51, %get3A_61, %dot_general3A_62 {dimension_numbers = #tpu.dot_dimension_numbers<[1], [0], [0], [1], [0, 0, 1, 1], [], []>, precision = #tpu.contract_precision<fp32>, transpose_lhs_hint = false} : vector<400x8xf32>, vector<8x16xf32>, vector<400x16xf32> -> vector<400x16xf32>
    %mul3A_64 = arith.constant 2.000000e+00 : f32
    %mul3A_65 = vector.broadcast %mul3A_64 : f32 to vector<400x16xf32>
    %mul3A_66 = arith.mulf %mul3A_65, %dot_general3A_63 : vector<400x16xf32>
    %sub3A_67 = vector.broadcast %sub3A_58 : vector<400x1xf32> to vector<400x16xf32>
    %sub3A_68 = arith.subf %sub3A_67, %mul3A_66 : vector<400x16xf32>
    %max3A_69 = arith.constant 0.000000e+00 : f32
    %max3A_70 = vector.broadcast %max3A_69 : f32 to vector<400x16xf32>
    %max3A_71 = arith.maximumf %sub3A_68, %max3A_70 : vector<400x16xf32>
    %add3A_72 = arith.constant 9.99999996E-13 : f32
    %add3A_73 = vector.broadcast %add3A_72 : f32 to vector<400x16xf32>
    %add3A_74 = arith.addf %max3A_71, %add3A_73 : vector<400x16xf32>
    %sqrt3A_75 = math.sqrt %add3A_74 : vector<400x16xf32>
    %sub3A_76 = arith.constant 1.000000e+00 : f32
    %sub3A_77 = vector.broadcast %sub3A_76 : f32 to vector<400x16xf32>
    %sub3A_78 = arith.subf %sub3A_77, %sqrt3A_75 : vector<400x16xf32>
    %max3A_79 = arith.constant 0.000000e+00 : f32
    %max3A_80 = vector.broadcast %max3A_79 : f32 to vector<400x16xf32>
    %max3A_81 = arith.maximumf %sub3A_78, %max3A_80 : vector<400x16xf32>
    %slice3A_82 = vector.extract_strided_slice %get3A_49 {offsets = [0, 0], sizes = [400, 32], strides = [1, 1]} : vector<400x48xf32> to vector<400x32xf32>
    %get3A_83 = arith.constant 0 : index
    %get3A_84 = arith.constant 0 : index
    %get3A_85 = vector.load %arg8[%get3A_83, %get3A_84] : memref<16x480xf32, #tpu.memory_space<vmem>>, vector<16x480xf32>
    %dot_general3A_86 = arith.constant dense<0.000000e+00> : vector<400x480xf32>
    %dot_general3A_87 = tpu.matmul %max3A_81, %get3A_85, %dot_general3A_86 {dimension_numbers = #tpu.dot_dimension_numbers<[1], [0], [0], [1], [0, 0, 1, 1], [], []>, precision = #tpu.contract_precision<fp32>, transpose_lhs_hint = false} : vector<400x16xf32>, vector<16x480xf32>, vector<400x480xf32> -> vector<400x480xf32>
    %get3A_88 = arith.constant 0 : index
    %get3A_89 = arith.constant 0 : index
    %get3A_90 = vector.load %arg9[%get3A_88, %get3A_89] : memref<32x480xf32, #tpu.memory_space<vmem>>, vector<32x480xf32>
    %dot_general3A_91 = arith.constant dense<0.000000e+00> : vector<400x480xf32>
    %dot_general3A_92 = tpu.matmul %slice3A_82, %get3A_90, %dot_general3A_91 {dimension_numbers = #tpu.dot_dimension_numbers<[1], [0], [0], [1], [0, 0, 1, 1], [], []>, precision = #tpu.contract_precision<fp32>, transpose_lhs_hint = false} : vector<400x32xf32>, vector<32x480xf32>, vector<400x480xf32> -> vector<400x480xf32>
    %mul3A_93 = arith.mulf %dot_general3A_87, %dot_general3A_92 : vector<400x480xf32>
    %add3A_94 = arith.addf %add3A_44, %mul3A_93 : vector<400x480xf32>
    %get3A_95 = arith.constant 2 : index
    %get3A_96 = arith.constant 0 : index
    %get3A_97 = arith.constant 0 : index
    %get3A_98 = vector.load %arg1[%get3A_95, %get3A_96, %get3A_97] : memref<32x400x48xf32, #tpu.memory_space<vmem>>, vector<1x400x48xf32>
    %get3A_99 = vector.shape_cast %get3A_98 : vector<1x400x48xf32> to vector<400x48xf32>
    %slice3A_100 = vector.extract_strided_slice %get3A_99 {offsets = [0, 32], sizes = [400, 8], strides = [1, 1]} : vector<400x48xf32> to vector<400x8xf32>
    %sub3A_101 = arith.subf %slice3A_100, %get3A_1 : vector<400x8xf32>
    %mul3A_102 = arith.mulf %sub3A_101, %sub3A_101 : vector<400x8xf32>
    %reduce_sum3A_103 = arith.constant dense<0.000000e+00> : vector<400xf32>
    %reduce_sum3A_104 = vector.multi_reduction <add>, %mul3A_102, %reduce_sum3A_103 [1] : vector<400x8xf32> to vector<400xf32>
    %broadcast_in_dim3A_105 = vector.shape_cast %reduce_sum3A_104 : vector<400xf32> to vector<400x1xf32>
    %sub3A_106 = arith.constant 1.000000e+00 : f32
    %sub3A_107 = vector.broadcast %sub3A_106 : f32 to vector<400x1xf32>
    %sub3A_108 = arith.subf %broadcast_in_dim3A_105, %sub3A_107 : vector<400x1xf32>
    %get3A_109 = arith.constant 0 : index
    %get3A_110 = arith.constant 0 : index
    %get3A_111 = vector.load %arg7[%get3A_109, %get3A_110] : memref<8x16xf32, #tpu.memory_space<vmem>>, vector<8x16xf32>
    %dot_general3A_112 = arith.constant dense<0.000000e+00> : vector<400x16xf32>
    %dot_general3A_113 = tpu.matmul %sub3A_101, %get3A_111, %dot_general3A_112 {dimension_numbers = #tpu.dot_dimension_numbers<[1], [0], [0], [1], [0, 0, 1, 1], [], []>, precision = #tpu.contract_precision<fp32>, transpose_lhs_hint = false} : vector<400x8xf32>, vector<8x16xf32>, vector<400x16xf32> -> vector<400x16xf32>
    %mul3A_114 = arith.constant 2.000000e+00 : f32
    %mul3A_115 = vector.broadcast %mul3A_114 : f32 to vector<400x16xf32>
    %mul3A_116 = arith.mulf %mul3A_115, %dot_general3A_113 : vector<400x16xf32>
    %sub3A_117 = vector.broadcast %sub3A_108 : vector<400x1xf32> to vector<400x16xf32>
    %sub3A_118 = arith.subf %sub3A_117, %mul3A_116 : vector<400x16xf32>
    %max3A_119 = arith.constant 0.000000e+00 : f32
    %max3A_120 = vector.broadcast %max3A_119 : f32 to vector<400x16xf32>
    %max3A_121 = arith.maximumf %sub3A_118, %max3A_120 : vector<400x16xf32>
    %add3A_122 = arith.constant 9.99999996E-13 : f32
    %add3A_123 = vector.broadcast %add3A_122 : f32 to vector<400x16xf32>
    %add3A_124 = arith.addf %max3A_121, %add3A_123 : vector<400x16xf32>
    %sqrt3A_125 = math.sqrt %add3A_124 : vector<400x16xf32>
    %sub3A_126 = arith.constant 1.000000e+00 : f32
    %sub3A_127 = vector.broadcast %sub3A_126 : f32 to vector<400x16xf32>
    %sub3A_128 = arith.subf %sub3A_127, %sqrt3A_125 : vector<400x16xf32>
    %max3A_129 = arith.constant 0.000000e+00 : f32
    %max3A_130 = vector.broadcast %max3A_129 : f32 to vector<400x16xf32>
    %max3A_131 = arith.maximumf %sub3A_128, %max3A_130 : vector<400x16xf32>
    %slice3A_132 = vector.extract_strided_slice %get3A_99 {offsets = [0, 0], sizes = [400, 32], strides = [1, 1]} : vector<400x48xf32> to vector<400x32xf32>
    %get3A_133 = arith.constant 0 : index
    %get3A_134 = arith.constant 0 : index
    %get3A_135 = vector.load %arg8[%get3A_133, %get3A_134] : memref<16x480xf32, #tpu.memory_space<vmem>>, vector<16x480xf32>
    %dot_general3A_136 = arith.constant dense<0.000000e+00> : vector<400x480xf32>
    %dot_general3A_137 = tpu.matmul %max3A_131, %get3A_135, %dot_general3A_136 {dimension_numbers = #tpu.dot_dimension_numbers<[1], [0], [0], [1], [0, 0, 1, 1], [], []>, precision = #tpu.contract_precision<fp32>, transpose_lhs_hint = false} : vector<400x16xf32>, vector<16x480xf32>, vector<400x480xf32> -> vector<400x480xf32>
    %get3A_138 = arith.constant 0 : index
    %get3A_139 = arith.constant 0 : index
    %get3A_140 = vector.load %arg9[%get3A_138, %get3A_139] : memref<32x480xf32, #tpu.memory_space<vmem>>, vector<32x480xf32>
    %dot_general3A_141 = arith.constant dense<0.000000e+00> : vector<400x480xf32>
    %dot_general3A_142 = tpu.matmul %slice3A_132, %get3A_140, %dot_general3A_141 {dimension_numbers = #tpu.dot_dimension_numbers<[1], [0], [0], [1], [0, 0, 1, 1], [], []>, precision = #tpu.contract_precision<fp32>, transpose_lhs_hint = false} : vector<400x32xf32>, vector<32x480xf32>, vector<400x480xf32> -> vector<400x480xf32>
    %mul3A_143 = arith.mulf %dot_general3A_137, %dot_general3A_142 : vector<400x480xf32>
    %add3A_144 = arith.addf %add3A_94, %mul3A_143 : vector<400x480xf32>
    %get3A_145 = arith.constant 3 : index
    %get3A_146 = arith.constant 0 : index
    %get3A_147 = arith.constant 0 : index
    %get3A_148 = vector.load %arg1[%get3A_145, %get3A_146, %get3A_147] : memref<32x400x48xf32, #tpu.memory_space<vmem>>, vector<1x400x48xf32>
    %get3A_149 = vector.shape_cast %get3A_148 : vector<1x400x48xf32> to vector<400x48xf32>
    %slice3A_150 = vector.extract_strided_slice %get3A_149 {offsets = [0, 32], sizes = [400, 8], strides = [1, 1]} : vector<400x48xf32> to vector<400x8xf32>
    %sub3A_151 = arith.subf %slice3A_150, %get3A_1 : vector<400x8xf32>
    %mul3A_152 = arith.mulf %sub3A_151, %sub3A_151 : vector<400x8xf32>
    %reduce_sum3A_153 = arith.constant dense<0.000000e+00> : vector<400xf32>
    %reduce_sum3A_154 = vector.multi_reduction <add>, %mul3A_152, %reduce_sum3A_153 [1] : vector<400x8xf32> to vector<400xf32>
    %broadcast_in_dim3A_155 = vector.shape_cast %reduce_sum3A_154 : vector<400xf32> to vector<400x1xf32>
    %sub3A_156 = arith.constant 1.000000e+00 : f32
    %sub3A_157 = vector.broadcast %sub3A_156 : f32 to vector<400x1xf32>
    %sub3A_158 = arith.subf %broadcast_in_dim3A_155, %sub3A_157 : vector<400x1xf32>
    %get3A_159 = arith.constant 0 : index
    %get3A_160 = arith.constant 0 : index
    %get3A_161 = vector.load %arg7[%get3A_159, %get3A_160] : memref<8x16xf32, #tpu.memory_space<vmem>>, vector<8x16xf32>
    %dot_general3A_162 = arith.constant dense<0.000000e+00> : vector<400x16xf32>
    %dot_general3A_163 = tpu.matmul %sub3A_151, %get3A_161, %dot_general3A_162 {dimension_numbers = #tpu.dot_dimension_numbers<[1], [0], [0], [1], [0, 0, 1, 1], [], []>, precision = #tpu.contract_precision<fp32>, transpose_lhs_hint = false} : vector<400x8xf32>, vector<8x16xf32>, vector<400x16xf32> -> vector<400x16xf32>
    %mul3A_164 = arith.constant 2.000000e+00 : f32
    %mul3A_165 = vector.broadcast %mul3A_164 : f32 to vector<400x16xf32>
    %mul3A_166 = arith.mulf %mul3A_165, %dot_general3A_163 : vector<400x16xf32>
    %sub3A_167 = vector.broadcast %sub3A_158 : vector<400x1xf32> to vector<400x16xf32>
    %sub3A_168 = arith.subf %sub3A_167, %mul3A_166 : vector<400x16xf32>
    %max3A_169 = arith.constant 0.000000e+00 : f32
    %max3A_170 = vector.broadcast %max3A_169 : f32 to vector<400x16xf32>
    %max3A_171 = arith.maximumf %sub3A_168, %max3A_170 : vector<400x16xf32>
    %add3A_172 = arith.constant 9.99999996E-13 : f32
    %add3A_173 = vector.broadcast %add3A_172 : f32 to vector<400x16xf32>
    %add3A_174 = arith.addf %max3A_171, %add3A_173 : vector<400x16xf32>
    %sqrt3A_175 = math.sqrt %add3A_174 : vector<400x16xf32>
    %sub3A_176 = arith.constant 1.000000e+00 : f32
    %sub3A_177 = vector.broadcast %sub3A_176 : f32 to vector<400x16xf32>
    %sub3A_178 = arith.subf %sub3A_177, %sqrt3A_175 : vector<400x16xf32>
    %max3A_179 = arith.constant 0.000000e+00 : f32
    %max3A_180 = vector.broadcast %max3A_179 : f32 to vector<400x16xf32>
    %max3A_181 = arith.maximumf %sub3A_178, %max3A_180 : vector<400x16xf32>
    %slice3A_182 = vector.extract_strided_slice %get3A_149 {offsets = [0, 0], sizes = [400, 32], strides = [1, 1]} : vector<400x48xf32> to vector<400x32xf32>
    %get3A_183 = arith.constant 0 : index
    %get3A_184 = arith.constant 0 : index
    %get3A_185 = vector.load %arg8[%get3A_183, %get3A_184] : memref<16x480xf32, #tpu.memory_space<vmem>>, vector<16x480xf32>
    %dot_general3A_186 = arith.constant dense<0.000000e+00> : vector<400x480xf32>
    %dot_general3A_187 = tpu.matmul %max3A_181, %get3A_185, %dot_general3A_186 {dimension_numbers = #tpu.dot_dimension_numbers<[1], [0], [0], [1], [0, 0, 1, 1], [], []>, precision = #tpu.contract_precision<fp32>, transpose_lhs_hint = false} : vector<400x16xf32>, vector<16x480xf32>, vector<400x480xf32> -> vector<400x480xf32>
    %get3A_188 = arith.constant 0 : index
    %get3A_189 = arith.constant 0 : index
    %get3A_190 = vector.load %arg9[%get3A_188, %get3A_189] : memref<32x480xf32, #tpu.memory_space<vmem>>, vector<32x480xf32>
    %dot_general3A_191 = arith.constant dense<0.000000e+00> : vector<400x480xf32>
    %dot_general3A_192 = tpu.matmul %slice3A_182, %get3A_190, %dot_general3A_191 {dimension_numbers = #tpu.dot_dimension_numbers<[1], [0], [0], [1], [0, 0, 1, 1], [], []>, precision = #tpu.contract_precision<fp32>, transpose_lhs_hint = false} : vector<400x32xf32>, vector<32x480xf32>, vector<400x480xf32> -> vector<400x480xf32>
    %mul3A_193 = arith.mulf %dot_general3A_187, %dot_general3A_192 : vector<400x480xf32>
    %add3A_194 = arith.addf %add3A_144, %mul3A_193 : vector<400x480xf32>
    %get3A_195 = arith.constant 4 : index
    %get3A_196 = arith.constant 0 : index
    %get3A_197 = arith.constant 0 : index
    %get3A_198 = vector.load %arg1[%get3A_195, %get3A_196, %get3A_197] : memref<32x400x48xf32, #tpu.memory_space<vmem>>, vector<1x400x48xf32>
    %get3A_199 = vector.shape_cast %get3A_198 : vector<1x400x48xf32> to vector<400x48xf32>
    %slice3A_200 = vector.extract_strided_slice %get3A_199 {offsets = [0, 32], sizes = [400, 8], strides = [1, 1]} : vector<400x48xf32> to vector<400x8xf32>
    %sub3A_201 = arith.subf %slice3A_200, %get3A_1 : vector<400x8xf32>
    %mul3A_202 = arith.mulf %sub3A_201, %sub3A_201 : vector<400x8xf32>
    %reduce_sum3A_203 = arith.constant dense<0.000000e+00> : vector<400xf32>
    %reduce_sum3A_204 = vector.multi_reduction <add>, %mul3A_202, %reduce_sum3A_203 [1] : vector<400x8xf32> to vector<400xf32>
    %broadcast_in_dim3A_205 = vector.shape_cast %reduce_sum3A_204 : vector<400xf32> to vector<400x1xf32>
    %sub3A_206 = arith.constant 1.000000e+00 : f32
    %sub3A_207 = vector.broadcast %sub3A_206 : f32 to vector<400x1xf32>
    %sub3A_208 = arith.subf %broadcast_in_dim3A_205, %sub3A_207 : vector<400x1xf32>
    %get3A_209 = arith.constant 0 : index
    %get3A_210 = arith.constant 0 : index
    %get3A_211 = vector.load %arg7[%get3A_209, %get3A_210] : memref<8x16xf32, #tpu.memory_space<vmem>>, vector<8x16xf32>
    %dot_general3A_212 = arith.constant dense<0.000000e+00> : vector<400x16xf32>
    %dot_general3A_213 = tpu.matmul %sub3A_201, %get3A_211, %dot_general3A_212 {dimension_numbers = #tpu.dot_dimension_numbers<[1], [0], [0], [1], [0, 0, 1, 1], [], []>, precision = #tpu.contract_precision<fp32>, transpose_lhs_hint = false} : vector<400x8xf32>, vector<8x16xf32>, vector<400x16xf32> -> vector<400x16xf32>
    %mul3A_214 = arith.constant 2.000000e+00 : f32
    %mul3A_215 = vector.broadcast %mul3A_214 : f32 to vector<400x16xf32>
    %mul3A_216 = arith.mulf %mul3A_215, %dot_general3A_213 : vector<400x16xf32>
    %sub3A_217 = vector.broadcast %sub3A_208 : vector<400x1xf32> to vector<400x16xf32>
    %sub3A_218 = arith.subf %sub3A_217, %mul3A_216 : vector<400x16xf32>
    %max3A_219 = arith.constant 0.000000e+00 : f32
    %max3A_220 = vector.broadcast %max3A_219 : f32 to vector<400x16xf32>
    %max3A_221 = arith.maximumf %sub3A_218, %max3A_220 : vector<400x16xf32>
    %add3A_222 = arith.constant 9.99999996E-13 : f32
    %add3A_223 = vector.broadcast %add3A_222 : f32 to vector<400x16xf32>
    %add3A_224 = arith.addf %max3A_221, %add3A_223 : vector<400x16xf32>
    %sqrt3A_225 = math.sqrt %add3A_224 : vector<400x16xf32>
    %sub3A_226 = arith.constant 1.000000e+00 : f32
    %sub3A_227 = vector.broadcast %sub3A_226 : f32 to vector<400x16xf32>
    %sub3A_228 = arith.subf %sub3A_227, %sqrt3A_225 : vector<400x16xf32>
    %max3A_229 = arith.constant 0.000000e+00 : f32
    %max3A_230 = vector.broadcast %max3A_229 : f32 to vector<400x16xf32>
    %max3A_231 = arith.maximumf %sub3A_228, %max3A_230 : vector<400x16xf32>
    %slice3A_232 = vector.extract_strided_slice %get3A_199 {offsets = [0, 0], sizes = [400, 32], strides = [1, 1]} : vector<400x48xf32> to vector<400x32xf32>
    %get3A_233 = arith.constant 0 : index
    %get3A_234 = arith.constant 0 : index
    %get3A_235 = vector.load %arg8[%get3A_233, %get3A_234] : memref<16x480xf32, #tpu.memory_space<vmem>>, vector<16x480xf32>
    %dot_general3A_236 = arith.constant dense<0.000000e+00> : vector<400x480xf32>
    %dot_general3A_237 = tpu.matmul %max3A_231, %get3A_235, %dot_general3A_236 {dimension_numbers = #tpu.dot_dimension_numbers<[1], [0], [0], [1], [0, 0, 1, 1], [], []>, precision = #tpu.contract_precision<fp32>, transpose_lhs_hint = false} : vector<400x16xf32>, vector<16x480xf32>, vector<400x480xf32> -> vector<400x480xf32>
    %get3A_238 = arith.constant 0 : index
    %get3A_239 = arith.constant 0 : index
    %get3A_240 = vector.load %arg9[%get3A_238, %get3A_239] : memref<32x480xf32, #tpu.memory_space<vmem>>, vector<32x480xf32>
    %dot_general3A_241 = arith.constant dense<0.000000e+00> : vector<400x480xf32>
    %dot_general3A_242 = tpu.matmul %slice3A_232, %get3A_240, %dot_general3A_241 {dimension_numbers = #tpu.dot_dimension_numbers<[1], [0], [0], [1], [0, 0, 1, 1], [], []>, precision = #tpu.contract_precision<fp32>, transpose_lhs_hint = false} : vector<400x32xf32>, vector<32x480xf32>, vector<400x480xf32> -> vector<400x480xf32>
    %mul3A_243 = arith.mulf %dot_general3A_237, %dot_general3A_242 : vector<400x480xf32>
    %add3A_244 = arith.addf %add3A_194, %mul3A_243 : vector<400x480xf32>
    %get3A_245 = arith.constant 5 : index
    %get3A_246 = arith.constant 0 : index
    %get3A_247 = arith.constant 0 : index
    %get3A_248 = vector.load %arg1[%get3A_245, %get3A_246, %get3A_247] : memref<32x400x48xf32, #tpu.memory_space<vmem>>, vector<1x400x48xf32>
    %get3A_249 = vector.shape_cast %get3A_248 : vector<1x400x48xf32> to vector<400x48xf32>
    %slice3A_250 = vector.extract_strided_slice %get3A_249 {offsets = [0, 32], sizes = [400, 8], strides = [1, 1]} : vector<400x48xf32> to vector<400x8xf32>
    %sub3A_251 = arith.subf %slice3A_250, %get3A_1 : vector<400x8xf32>
    %mul3A_252 = arith.mulf %sub3A_251, %sub3A_251 : vector<400x8xf32>
    %reduce_sum3A_253 = arith.constant dense<0.000000e+00> : vector<400xf32>
    %reduce_sum3A_254 = vector.multi_reduction <add>, %mul3A_252, %reduce_sum3A_253 [1] : vector<400x8xf32> to vector<400xf32>
    %broadcast_in_dim3A_255 = vector.shape_cast %reduce_sum3A_254 : vector<400xf32> to vector<400x1xf32>
    %sub3A_256 = arith.constant 1.000000e+00 : f32
    %sub3A_257 = vector.broadcast %sub3A_256 : f32 to vector<400x1xf32>
    %sub3A_258 = arith.subf %broadcast_in_dim3A_255, %sub3A_257 : vector<400x1xf32>
    %get3A_259 = arith.constant 0 : index
    %get3A_260 = arith.constant 0 : index
    %get3A_261 = vector.load %arg7[%get3A_259, %get3A_260] : memref<8x16xf32, #tpu.memory_space<vmem>>, vector<8x16xf32>
    %dot_general3A_262 = arith.constant dense<0.000000e+00> : vector<400x16xf32>
    %dot_general3A_263 = tpu.matmul %sub3A_251, %get3A_261, %dot_general3A_262 {dimension_numbers = #tpu.dot_dimension_numbers<[1], [0], [0], [1], [0, 0, 1, 1], [], []>, precision = #tpu.contract_precision<fp32>, transpose_lhs_hint = false} : vector<400x8xf32>, vector<8x16xf32>, vector<400x16xf32> -> vector<400x16xf32>
    %mul3A_264 = arith.constant 2.000000e+00 : f32
    %mul3A_265 = vector.broadcast %mul3A_264 : f32 to vector<400x16xf32>
    %mul3A_266 = arith.mulf %mul3A_265, %dot_general3A_263 : vector<400x16xf32>
    %sub3A_267 = vector.broadcast %sub3A_258 : vector<400x1xf32> to vector<400x16xf32>
    %sub3A_268 = arith.subf %sub3A_267, %mul3A_266 : vector<400x16xf32>
    %max3A_269 = arith.constant 0.000000e+00 : f32
    %max3A_270 = vector.broadcast %max3A_269 : f32 to vector<400x16xf32>
    %max3A_271 = arith.maximumf %sub3A_268, %max3A_270 : vector<400x16xf32>
    %add3A_272 = arith.constant 9.99999996E-13 : f32
    %add3A_273 = vector.broadcast %add3A_272 : f32 to vector<400x16xf32>
    %add3A_274 = arith.addf %max3A_271, %add3A_273 : vector<400x16xf32>
    %sqrt3A_275 = math.sqrt %add3A_274 : vector<400x16xf32>
    %sub3A_276 = arith.constant 1.000000e+00 : f32
    %sub3A_277 = vector.broadcast %sub3A_276 : f32 to vector<400x16xf32>
    %sub3A_278 = arith.subf %sub3A_277, %sqrt3A_275 : vector<400x16xf32>
    %max3A_279 = arith.constant 0.000000e+00 : f32
    %max3A_280 = vector.broadcast %max3A_279 : f32 to vector<400x16xf32>
    %max3A_281 = arith.maximumf %sub3A_278, %max3A_280 : vector<400x16xf32>
    %slice3A_282 = vector.extract_strided_slice %get3A_249 {offsets = [0, 0], sizes = [400, 32], strides = [1, 1]} : vector<400x48xf32> to vector<400x32xf32>
    %get3A_283 = arith.constant 0 : index
    %get3A_284 = arith.constant 0 : index
    %get3A_285 = vector.load %arg8[%get3A_283, %get3A_284] : memref<16x480xf32, #tpu.memory_space<vmem>>, vector<16x480xf32>
    %dot_general3A_286 = arith.constant dense<0.000000e+00> : vector<400x480xf32>
    %dot_general3A_287 = tpu.matmul %max3A_281, %get3A_285, %dot_general3A_286 {dimension_numbers = #tpu.dot_dimension_numbers<[1], [0], [0], [1], [0, 0, 1, 1], [], []>, precision = #tpu.contract_precision<fp32>, transpose_lhs_hint = false} : vector<400x16xf32>, vector<16x480xf32>, vector<400x480xf32> -> vector<400x480xf32>
    %get3A_288 = arith.constant 0 : index
    %get3A_289 = arith.constant 0 : index
    %get3A_290 = vector.load %arg9[%get3A_288, %get3A_289] : memref<32x480xf32, #tpu.memory_space<vmem>>, vector<32x480xf32>
    %dot_general3A_291 = arith.constant dense<0.000000e+00> : vector<400x480xf32>
    %dot_general3A_292 = tpu.matmul %slice3A_282, %get3A_290, %dot_general3A_291 {dimension_numbers = #tpu.dot_dimension_numbers<[1], [0], [0], [1], [0, 0, 1, 1], [], []>, precision = #tpu.contract_precision<fp32>, transpose_lhs_hint = false} : vector<400x32xf32>, vector<32x480xf32>, vector<400x480xf32> -> vector<400x480xf32>
    %mul3A_293 = arith.mulf %dot_general3A_287, %dot_general3A_292 : vector<400x480xf32>
    %add3A_294 = arith.addf %add3A_244, %mul3A_293 : vector<400x480xf32>
    %get3A_295 = arith.constant 6 : index
    %get3A_296 = arith.constant 0 : index
    %get3A_297 = arith.constant 0 : index
    %get3A_298 = vector.load %arg1[%get3A_295, %get3A_296, %get3A_297] : memref<32x400x48xf32, #tpu.memory_space<vmem>>, vector<1x400x48xf32>
    %get3A_299 = vector.shape_cast %get3A_298 : vector<1x400x48xf32> to vector<400x48xf32>
    %slice3A_300 = vector.extract_strided_slice %get3A_299 {offsets = [0, 32], sizes = [400, 8], strides = [1, 1]} : vector<400x48xf32> to vector<400x8xf32>
    %sub3A_301 = arith.subf %slice3A_300, %get3A_1 : vector<400x8xf32>
    %mul3A_302 = arith.mulf %sub3A_301, %sub3A_301 : vector<400x8xf32>
    %reduce_sum3A_303 = arith.constant dense<0.000000e+00> : vector<400xf32>
    %reduce_sum3A_304 = vector.multi_reduction <add>, %mul3A_302, %reduce_sum3A_303 [1] : vector<400x8xf32> to vector<400xf32>
    %broadcast_in_dim3A_305 = vector.shape_cast %reduce_sum3A_304 : vector<400xf32> to vector<400x1xf32>
    %sub3A_306 = arith.constant 1.000000e+00 : f32
    %sub3A_307 = vector.broadcast %sub3A_306 : f32 to vector<400x1xf32>
    %sub3A_308 = arith.subf %broadcast_in_dim3A_305, %sub3A_307 : vector<400x1xf32>
    %get3A_309 = arith.constant 0 : index
    %get3A_310 = arith.constant 0 : index
    %get3A_311 = vector.load %arg7[%get3A_309, %get3A_310] : memref<8x16xf32, #tpu.memory_space<vmem>>, vector<8x16xf32>
    %dot_general3A_312 = arith.constant dense<0.000000e+00> : vector<400x16xf32>
    %dot_general3A_313 = tpu.matmul %sub3A_301, %get3A_311, %dot_general3A_312 {dimension_numbers = #tpu.dot_dimension_numbers<[1], [0], [0], [1], [0, 0, 1, 1], [], []>, precision = #tpu.contract_precision<fp32>, transpose_lhs_hint = false} : vector<400x8xf32>, vector<8x16xf32>, vector<400x16xf32> -> vector<400x16xf32>
    %mul3A_314 = arith.constant 2.000000e+00 : f32
    %mul3A_315 = vector.broadcast %mul3A_314 : f32 to vector<400x16xf32>
    %mul3A_316 = arith.mulf %mul3A_315, %dot_general3A_313 : vector<400x16xf32>
    %sub3A_317 = vector.broadcast %sub3A_308 : vector<400x1xf32> to vector<400x16xf32>
    %sub3A_318 = arith.subf %sub3A_317, %mul3A_316 : vector<400x16xf32>
    %max3A_319 = arith.constant 0.000000e+00 : f32
    %max3A_320 = vector.broadcast %max3A_319 : f32 to vector<400x16xf32>
    %max3A_321 = arith.maximumf %sub3A_318, %max3A_320 : vector<400x16xf32>
    %add3A_322 = arith.constant 9.99999996E-13 : f32
    %add3A_323 = vector.broadcast %add3A_322 : f32 to vector<400x16xf32>
    %add3A_324 = arith.addf %max3A_321, %add3A_323 : vector<400x16xf32>
    %sqrt3A_325 = math.sqrt %add3A_324 : vector<400x16xf32>
    %sub3A_326 = arith.constant 1.000000e+00 : f32
    %sub3A_327 = vector.broadcast %sub3A_326 : f32 to vector<400x16xf32>
    %sub3A_328 = arith.subf %sub3A_327, %sqrt3A_325 : vector<400x16xf32>
    %max3A_329 = arith.constant 0.000000e+00 : f32
    %max3A_330 = vector.broadcast %max3A_329 : f32 to vector<400x16xf32>
    %max3A_331 = arith.maximumf %sub3A_328, %max3A_330 : vector<400x16xf32>
    %slice3A_332 = vector.extract_strided_slice %get3A_299 {offsets = [0, 0], sizes = [400, 32], strides = [1, 1]} : vector<400x48xf32> to vector<400x32xf32>
    %get3A_333 = arith.constant 0 : index
    %get3A_334 = arith.constant 0 : index
    %get3A_335 = vector.load %arg8[%get3A_333, %get3A_334] : memref<16x480xf32, #tpu.memory_space<vmem>>, vector<16x480xf32>
    %dot_general3A_336 = arith.constant dense<0.000000e+00> : vector<400x480xf32>
    %dot_general3A_337 = tpu.matmul %max3A_331, %get3A_335, %dot_general3A_336 {dimension_numbers = #tpu.dot_dimension_numbers<[1], [0], [0], [1], [0, 0, 1, 1], [], []>, precision = #tpu.contract_precision<fp32>, transpose_lhs_hint = false} : vector<400x16xf32>, vector<16x480xf32>, vector<400x480xf32> -> vector<400x480xf32>
    %get3A_338 = arith.constant 0 : index
    %get3A_339 = arith.constant 0 : index
    %get3A_340 = vector.load %arg9[%get3A_338, %get3A_339] : memref<32x480xf32, #tpu.memory_space<vmem>>, vector<32x480xf32>
    %dot_general3A_341 = arith.constant dense<0.000000e+00> : vector<400x480xf32>
    %dot_general3A_342 = tpu.matmul %slice3A_332, %get3A_340, %dot_general3A_341 {dimension_numbers = #tpu.dot_dimension_numbers<[1], [0], [0], [1], [0, 0, 1, 1], [], []>, precision = #tpu.contract_precision<fp32>, transpose_lhs_hint = false} : vector<400x32xf32>, vector<32x480xf32>, vector<400x480xf32> -> vector<400x480xf32>
    %mul3A_343 = arith.mulf %dot_general3A_337, %dot_general3A_342 : vector<400x480xf32>
    %add3A_344 = arith.addf %add3A_294, %mul3A_343 : vector<400x480xf32>
    %get3A_345 = arith.constant 7 : index
    %get3A_346 = arith.constant 0 : index
    %get3A_347 = arith.constant 0 : index
    %get3A_348 = vector.load %arg1[%get3A_345, %get3A_346, %get3A_347] : memref<32x400x48xf32, #tpu.memory_space<vmem>>, vector<1x400x48xf32>
    %get3A_349 = vector.shape_cast %get3A_348 : vector<1x400x48xf32> to vector<400x48xf32>
    %slice3A_350 = vector.extract_strided_slice %get3A_349 {offsets = [0, 32], sizes = [400, 8], strides = [1, 1]} : vector<400x48xf32> to vector<400x8xf32>
    %sub3A_351 = arith.subf %slice3A_350, %get3A_1 : vector<400x8xf32>
    %mul3A_352 = arith.mulf %sub3A_351, %sub3A_351 : vector<400x8xf32>
    %reduce_sum3A_353 = arith.constant dense<0.000000e+00> : vector<400xf32>
    %reduce_sum3A_354 = vector.multi_reduction <add>, %mul3A_352, %reduce_sum3A_353 [1] : vector<400x8xf32> to vector<400xf32>
    %broadcast_in_dim3A_355 = vector.shape_cast %reduce_sum3A_354 : vector<400xf32> to vector<400x1xf32>
    %sub3A_356 = arith.constant 1.000000e+00 : f32
    %sub3A_357 = vector.broadcast %sub3A_356 : f32 to vector<400x1xf32>
    %sub3A_358 = arith.subf %broadcast_in_dim3A_355, %sub3A_357 : vector<400x1xf32>
    %get3A_359 = arith.constant 0 : index
    %get3A_360 = arith.constant 0 : index
    %get3A_361 = vector.load %arg7[%get3A_359, %get3A_360] : memref<8x16xf32, #tpu.memory_space<vmem>>, vector<8x16xf32>
    %dot_general3A_362 = arith.constant dense<0.000000e+00> : vector<400x16xf32>
    %dot_general3A_363 = tpu.matmul %sub3A_351, %get3A_361, %dot_general3A_362 {dimension_numbers = #tpu.dot_dimension_numbers<[1], [0], [0], [1], [0, 0, 1, 1], [], []>, precision = #tpu.contract_precision<fp32>, transpose_lhs_hint = false} : vector<400x8xf32>, vector<8x16xf32>, vector<400x16xf32> -> vector<400x16xf32>
    %mul3A_364 = arith.constant 2.000000e+00 : f32
    %mul3A_365 = vector.broadcast %mul3A_364 : f32 to vector<400x16xf32>
    %mul3A_366 = arith.mulf %mul3A_365, %dot_general3A_363 : vector<400x16xf32>
    %sub3A_367 = vector.broadcast %sub3A_358 : vector<400x1xf32> to vector<400x16xf32>
    %sub3A_368 = arith.subf %sub3A_367, %mul3A_366 : vector<400x16xf32>
    %max3A_369 = arith.constant 0.000000e+00 : f32
    %max3A_370 = vector.broadcast %max3A_369 : f32 to vector<400x16xf32>
    %max3A_371 = arith.maximumf %sub3A_368, %max3A_370 : vector<400x16xf32>
    %add3A_372 = arith.constant 9.99999996E-13 : f32
    %add3A_373 = vector.broadcast %add3A_372 : f32 to vector<400x16xf32>
    %add3A_374 = arith.addf %max3A_371, %add3A_373 : vector<400x16xf32>
    %sqrt3A_375 = math.sqrt %add3A_374 : vector<400x16xf32>
    %sub3A_376 = arith.constant 1.000000e+00 : f32
    %sub3A_377 = vector.broadcast %sub3A_376 : f32 to vector<400x16xf32>
    %sub3A_378 = arith.subf %sub3A_377, %sqrt3A_375 : vector<400x16xf32>
    %max3A_379 = arith.constant 0.000000e+00 : f32
    %max3A_380 = vector.broadcast %max3A_379 : f32 to vector<400x16xf32>
    %max3A_381 = arith.maximumf %sub3A_378, %max3A_380 : vector<400x16xf32>
    %slice3A_382 = vector.extract_strided_slice %get3A_349 {offsets = [0, 0], sizes = [400, 32], strides = [1, 1]} : vector<400x48xf32> to vector<400x32xf32>
    %get3A_383 = arith.constant 0 : index
    %get3A_384 = arith.constant 0 : index
    %get3A_385 = vector.load %arg8[%get3A_383, %get3A_384] : memref<16x480xf32, #tpu.memory_space<vmem>>, vector<16x480xf32>
    %dot_general3A_386 = arith.constant dense<0.000000e+00> : vector<400x480xf32>
    %dot_general3A_387 = tpu.matmul %max3A_381, %get3A_385, %dot_general3A_386 {dimension_numbers = #tpu.dot_dimension_numbers<[1], [0], [0], [1], [0, 0, 1, 1], [], []>, precision = #tpu.contract_precision<fp32>, transpose_lhs_hint = false} : vector<400x16xf32>, vector<16x480xf32>, vector<400x480xf32> -> vector<400x480xf32>
    %get3A_388 = arith.constant 0 : index
    %get3A_389 = arith.constant 0 : index
    %get3A_390 = vector.load %arg9[%get3A_388, %get3A_389] : memref<32x480xf32, #tpu.memory_space<vmem>>, vector<32x480xf32>
    %dot_general3A_391 = arith.constant dense<0.000000e+00> : vector<400x480xf32>
    %dot_general3A_392 = tpu.matmul %slice3A_382, %get3A_390, %dot_general3A_391 {dimension_numbers = #tpu.dot_dimension_numbers<[1], [0], [0], [1], [0, 0, 1, 1], [], []>, precision = #tpu.contract_precision<fp32>, transpose_lhs_hint = false} : vector<400x32xf32>, vector<32x480xf32>, vector<400x480xf32> -> vector<400x480xf32>
    %mul3A_393 = arith.mulf %dot_general3A_387, %dot_general3A_392 : vector<400x480xf32>
    %add3A_394 = arith.addf %add3A_344, %mul3A_393 : vector<400x480xf32>
    %get3A_395 = arith.constant 8 : index
    %get3A_396 = arith.constant 0 : index
    %get3A_397 = arith.constant 0 : index
    %get3A_398 = vector.load %arg1[%get3A_395, %get3A_396, %get3A_397] : memref<32x400x48xf32, #tpu.memory_space<vmem>>, vector<1x400x48xf32>
    %get3A_399 = vector.shape_cast %get3A_398 : vector<1x400x48xf32> to vector<400x48xf32>
    %slice3A_400 = vector.extract_strided_slice %get3A_399 {offsets = [0, 32], sizes = [400, 8], strides = [1, 1]} : vector<400x48xf32> to vector<400x8xf32>
    %sub3A_401 = arith.subf %slice3A_400, %get3A_1 : vector<400x8xf32>
    %mul3A_402 = arith.mulf %sub3A_401, %sub3A_401 : vector<400x8xf32>
    %reduce_sum3A_403 = arith.constant dense<0.000000e+00> : vector<400xf32>
    %reduce_sum3A_404 = vector.multi_reduction <add>, %mul3A_402, %reduce_sum3A_403 [1] : vector<400x8xf32> to vector<400xf32>
    %broadcast_in_dim3A_405 = vector.shape_cast %reduce_sum3A_404 : vector<400xf32> to vector<400x1xf32>
    %sub3A_406 = arith.constant 1.000000e+00 : f32
    %sub3A_407 = vector.broadcast %sub3A_406 : f32 to vector<400x1xf32>
    %sub3A_408 = arith.subf %broadcast_in_dim3A_405, %sub3A_407 : vector<400x1xf32>
    %get3A_409 = arith.constant 0 : index
    %get3A_410 = arith.constant 0 : index
    %get3A_411 = vector.load %arg7[%get3A_409, %get3A_410] : memref<8x16xf32, #tpu.memory_space<vmem>>, vector<8x16xf32>
    %dot_general3A_412 = arith.constant dense<0.000000e+00> : vector<400x16xf32>
    %dot_general3A_413 = tpu.matmul %sub3A_401, %get3A_411, %dot_general3A_412 {dimension_numbers = #tpu.dot_dimension_numbers<[1], [0], [0], [1], [0, 0, 1, 1], [], []>, precision = #tpu.contract_precision<fp32>, transpose_lhs_hint = false} : vector<400x8xf32>, vector<8x16xf32>, vector<400x16xf32> -> vector<400x16xf32>
    %mul3A_414 = arith.constant 2.000000e+00 : f32
    %mul3A_415 = vector.broadcast %mul3A_414 : f32 to vector<400x16xf32>
    %mul3A_416 = arith.mulf %mul3A_415, %dot_general3A_413 : vector<400x16xf32>
    %sub3A_417 = vector.broadcast %sub3A_408 : vector<400x1xf32> to vector<400x16xf32>
    %sub3A_418 = arith.subf %sub3A_417, %mul3A_416 : vector<400x16xf32>
    %max3A_419 = arith.constant 0.000000e+00 : f32
    %max3A_420 = vector.broadcast %max3A_419 : f32 to vector<400x16xf32>
    %max3A_421 = arith.maximumf %sub3A_418, %max3A_420 : vector<400x16xf32>
    %add3A_422 = arith.constant 9.99999996E-13 : f32
    %add3A_423 = vector.broadcast %add3A_422 : f32 to vector<400x16xf32>
    %add3A_424 = arith.addf %max3A_421, %add3A_423 : vector<400x16xf32>
    %sqrt3A_425 = math.sqrt %add3A_424 : vector<400x16xf32>
    %sub3A_426 = arith.constant 1.000000e+00 : f32
    %sub3A_427 = vector.broadcast %sub3A_426 : f32 to vector<400x16xf32>
    %sub3A_428 = arith.subf %sub3A_427, %sqrt3A_425 : vector<400x16xf32>
    %max3A_429 = arith.constant 0.000000e+00 : f32
    %max3A_430 = vector.broadcast %max3A_429 : f32 to vector<400x16xf32>
    %max3A_431 = arith.maximumf %sub3A_428, %max3A_430 : vector<400x16xf32>
    %slice3A_432 = vector.extract_strided_slice %get3A_399 {offsets = [0, 0], sizes = [400, 32], strides = [1, 1]} : vector<400x48xf32> to vector<400x32xf32>
    %get3A_433 = arith.constant 0 : index
    %get3A_434 = arith.constant 0 : index
    %get3A_435 = vector.load %arg8[%get3A_433, %get3A_434] : memref<16x480xf32, #tpu.memory_space<vmem>>, vector<16x480xf32>
    %dot_general3A_436 = arith.constant dense<0.000000e+00> : vector<400x480xf32>
    %dot_general3A_437 = tpu.matmul %max3A_431, %get3A_435, %dot_general3A_436 {dimension_numbers = #tpu.dot_dimension_numbers<[1], [0], [0], [1], [0, 0, 1, 1], [], []>, precision = #tpu.contract_precision<fp32>, transpose_lhs_hint = false} : vector<400x16xf32>, vector<16x480xf32>, vector<400x480xf32> -> vector<400x480xf32>
    %get3A_438 = arith.constant 0 : index
    %get3A_439 = arith.constant 0 : index
    %get3A_440 = vector.load %arg9[%get3A_438, %get3A_439] : memref<32x480xf32, #tpu.memory_space<vmem>>, vector<32x480xf32>
    %dot_general3A_441 = arith.constant dense<0.000000e+00> : vector<400x480xf32>
    %dot_general3A_442 = tpu.matmul %slice3A_432, %get3A_440, %dot_general3A_441 {dimension_numbers = #tpu.dot_dimension_numbers<[1], [0], [0], [1], [0, 0, 1, 1], [], []>, precision = #tpu.contract_precision<fp32>, transpose_lhs_hint = false} : vector<400x32xf32>, vector<32x480xf32>, vector<400x480xf32> -> vector<400x480xf32>
    %mul3A_443 = arith.mulf %dot_general3A_437, %dot_general3A_442 : vector<400x480xf32>
    %add3A_444 = arith.addf %add3A_394, %mul3A_443 : vector<400x480xf32>
    %get3A_445 = arith.constant 9 : index
    %get3A_446 = arith.constant 0 : index
    %get3A_447 = arith.constant 0 : index
    %get3A_448 = vector.load %arg1[%get3A_445, %get3A_446, %get3A_447] : memref<32x400x48xf32, #tpu.memory_space<vmem>>, vector<1x400x48xf32>
    %get3A_449 = vector.shape_cast %get3A_448 : vector<1x400x48xf32> to vector<400x48xf32>
    %slice3A_450 = vector.extract_strided_slice %get3A_449 {offsets = [0, 32], sizes = [400, 8], strides = [1, 1]} : vector<400x48xf32> to vector<400x8xf32>
    %sub3A_451 = arith.subf %slice3A_450, %get3A_1 : vector<400x8xf32>
    %mul3A_452 = arith.mulf %sub3A_451, %sub3A_451 : vector<400x8xf32>
    %reduce_sum3A_453 = arith.constant dense<0.000000e+00> : vector<400xf32>
    %reduce_sum3A_454 = vector.multi_reduction <add>, %mul3A_452, %reduce_sum3A_453 [1] : vector<400x8xf32> to vector<400xf32>
    %broadcast_in_dim3A_455 = vector.shape_cast %reduce_sum3A_454 : vector<400xf32> to vector<400x1xf32>
    %sub3A_456 = arith.constant 1.000000e+00 : f32
    %sub3A_457 = vector.broadcast %sub3A_456 : f32 to vector<400x1xf32>
    %sub3A_458 = arith.subf %broadcast_in_dim3A_455, %sub3A_457 : vector<400x1xf32>
    %get3A_459 = arith.constant 0 : index
    %get3A_460 = arith.constant 0 : index
    %get3A_461 = vector.load %arg7[%get3A_459, %get3A_460] : memref<8x16xf32, #tpu.memory_space<vmem>>, vector<8x16xf32>
    %dot_general3A_462 = arith.constant dense<0.000000e+00> : vector<400x16xf32>
    %dot_general3A_463 = tpu.matmul %sub3A_451, %get3A_461, %dot_general3A_462 {dimension_numbers = #tpu.dot_dimension_numbers<[1], [0], [0], [1], [0, 0, 1, 1], [], []>, precision = #tpu.contract_precision<fp32>, transpose_lhs_hint = false} : vector<400x8xf32>, vector<8x16xf32>, vector<400x16xf32> -> vector<400x16xf32>
    %mul3A_464 = arith.constant 2.000000e+00 : f32
    %mul3A_465 = vector.broadcast %mul3A_464 : f32 to vector<400x16xf32>
    %mul3A_466 = arith.mulf %mul3A_465, %dot_general3A_463 : vector<400x16xf32>
    %sub3A_467 = vector.broadcast %sub3A_458 : vector<400x1xf32> to vector<400x16xf32>
    %sub3A_468 = arith.subf %sub3A_467, %mul3A_466 : vector<400x16xf32>
    %max3A_469 = arith.constant 0.000000e+00 : f32
    %max3A_470 = vector.broadcast %max3A_469 : f32 to vector<400x16xf32>
    %max3A_471 = arith.maximumf %sub3A_468, %max3A_470 : vector<400x16xf32>
    %add3A_472 = arith.constant 9.99999996E-13 : f32
    %add3A_473 = vector.broadcast %add3A_472 : f32 to vector<400x16xf32>
    %add3A_474 = arith.addf %max3A_471, %add3A_473 : vector<400x16xf32>
    %sqrt3A_475 = math.sqrt %add3A_474 : vector<400x16xf32>
    %sub3A_476 = arith.constant 1.000000e+00 : f32
    %sub3A_477 = vector.broadcast %sub3A_476 : f32 to vector<400x16xf32>
    %sub3A_478 = arith.subf %sub3A_477, %sqrt3A_475 : vector<400x16xf32>
    %max3A_479 = arith.constant 0.000000e+00 : f32
    %max3A_480 = vector.broadcast %max3A_479 : f32 to vector<400x16xf32>
    %max3A_481 = arith.maximumf %sub3A_478, %max3A_480 : vector<400x16xf32>
    %slice3A_482 = vector.extract_strided_slice %get3A_449 {offsets = [0, 0], sizes = [400, 32], strides = [1, 1]} : vector<400x48xf32> to vector<400x32xf32>
    %get3A_483 = arith.constant 0 : index
    %get3A_484 = arith.constant 0 : index
    %get3A_485 = vector.load %arg8[%get3A_483, %get3A_484] : memref<16x480xf32, #tpu.memory_space<vmem>>, vector<16x480xf32>
    %dot_general3A_486 = arith.constant dense<0.000000e+00> : vector<400x480xf32>
    %dot_general3A_487 = tpu.matmul %max3A_481, %get3A_485, %dot_general3A_486 {dimension_numbers = #tpu.dot_dimension_numbers<[1], [0], [0], [1], [0, 0, 1, 1], [], []>, precision = #tpu.contract_precision<fp32>, transpose_lhs_hint = false} : vector<400x16xf32>, vector<16x480xf32>, vector<400x480xf32> -> vector<400x480xf32>
    %get3A_488 = arith.constant 0 : index
    %get3A_489 = arith.constant 0 : index
    %get3A_490 = vector.load %arg9[%get3A_488, %get3A_489] : memref<32x480xf32, #tpu.memory_space<vmem>>, vector<32x480xf32>
    %dot_general3A_491 = arith.constant dense<0.000000e+00> : vector<400x480xf32>
    %dot_general3A_492 = tpu.matmul %slice3A_482, %get3A_490, %dot_general3A_491 {dimension_numbers = #tpu.dot_dimension_numbers<[1], [0], [0], [1], [0, 0, 1, 1], [], []>, precision = #tpu.contract_precision<fp32>, transpose_lhs_hint = false} : vector<400x32xf32>, vector<32x480xf32>, vector<400x480xf32> -> vector<400x480xf32>
    %mul3A_493 = arith.mulf %dot_general3A_487, %dot_general3A_492 : vector<400x480xf32>
    %add3A_494 = arith.addf %add3A_444, %mul3A_493 : vector<400x480xf32>
    %get3A_495 = arith.constant 10 : index
    %get3A_496 = arith.constant 0 : index
    %get3A_497 = arith.constant 0 : index
    %get3A_498 = vector.load %arg1[%get3A_495, %get3A_496, %get3A_497] : memref<32x400x48xf32, #tpu.memory_space<vmem>>, vector<1x400x48xf32>
    %get3A_499 = vector.shape_cast %get3A_498 : vector<1x400x48xf32> to vector<400x48xf32>
    %slice3A_500 = vector.extract_strided_slice %get3A_499 {offsets = [0, 32], sizes = [400, 8], strides = [1, 1]} : vector<400x48xf32> to vector<400x8xf32>
    %sub3A_501 = arith.subf %slice3A_500, %get3A_1 : vector<400x8xf32>
    %mul3A_502 = arith.mulf %sub3A_501, %sub3A_501 : vector<400x8xf32>
    %reduce_sum3A_503 = arith.constant dense<0.000000e+00> : vector<400xf32>
    %reduce_sum3A_504 = vector.multi_reduction <add>, %mul3A_502, %reduce_sum3A_503 [1] : vector<400x8xf32> to vector<400xf32>
    %broadcast_in_dim3A_505 = vector.shape_cast %reduce_sum3A_504 : vector<400xf32> to vector<400x1xf32>
    %sub3A_506 = arith.constant 1.000000e+00 : f32
    %sub3A_507 = vector.broadcast %sub3A_506 : f32 to vector<400x1xf32>
    %sub3A_508 = arith.subf %broadcast_in_dim3A_505, %sub3A_507 : vector<400x1xf32>
    %get3A_509 = arith.constant 0 : index
    %get3A_510 = arith.constant 0 : index
    %get3A_511 = vector.load %arg7[%get3A_509, %get3A_510] : memref<8x16xf32, #tpu.memory_space<vmem>>, vector<8x16xf32>
    %dot_general3A_512 = arith.constant dense<0.000000e+00> : vector<400x16xf32>
    %dot_general3A_513 = tpu.matmul %sub3A_501, %get3A_511, %dot_general3A_512 {dimension_numbers = #tpu.dot_dimension_numbers<[1], [0], [0], [1], [0, 0, 1, 1], [], []>, precision = #tpu.contract_precision<fp32>, transpose_lhs_hint = false} : vector<400x8xf32>, vector<8x16xf32>, vector<400x16xf32> -> vector<400x16xf32>
    %mul3A_514 = arith.constant 2.000000e+00 : f32
    %mul3A_515 = vector.broadcast %mul3A_514 : f32 to vector<400x16xf32>
    %mul3A_516 = arith.mulf %mul3A_515, %dot_general3A_513 : vector<400x16xf32>
    %sub3A_517 = vector.broadcast %sub3A_508 : vector<400x1xf32> to vector<400x16xf32>
    %sub3A_518 = arith.subf %sub3A_517, %mul3A_516 : vector<400x16xf32>
    %max3A_519 = arith.constant 0.000000e+00 : f32
    %max3A_520 = vector.broadcast %max3A_519 : f32 to vector<400x16xf32>
    %max3A_521 = arith.maximumf %sub3A_518, %max3A_520 : vector<400x16xf32>
    %add3A_522 = arith.constant 9.99999996E-13 : f32
    %add3A_523 = vector.broadcast %add3A_522 : f32 to vector<400x16xf32>
    %add3A_524 = arith.addf %max3A_521, %add3A_523 : vector<400x16xf32>
    %sqrt3A_525 = math.sqrt %add3A_524 : vector<400x16xf32>
    %sub3A_526 = arith.constant 1.000000e+00 : f32
    %sub3A_527 = vector.broadcast %sub3A_526 : f32 to vector<400x16xf32>
    %sub3A_528 = arith.subf %sub3A_527, %sqrt3A_525 : vector<400x16xf32>
    %max3A_529 = arith.constant 0.000000e+00 : f32
    %max3A_530 = vector.broadcast %max3A_529 : f32 to vector<400x16xf32>
    %max3A_531 = arith.maximumf %sub3A_528, %max3A_530 : vector<400x16xf32>
    %slice3A_532 = vector.extract_strided_slice %get3A_499 {offsets = [0, 0], sizes = [400, 32], strides = [1, 1]} : vector<400x48xf32> to vector<400x32xf32>
    %get3A_533 = arith.constant 0 : index
    %get3A_534 = arith.constant 0 : index
    %get3A_535 = vector.load %arg8[%get3A_533, %get3A_534] : memref<16x480xf32, #tpu.memory_space<vmem>>, vector<16x480xf32>
    %dot_general3A_536 = arith.constant dense<0.000000e+00> : vector<400x480xf32>
    %dot_general3A_537 = tpu.matmul %max3A_531, %get3A_535, %dot_general3A_536 {dimension_numbers = #tpu.dot_dimension_numbers<[1], [0], [0], [1], [0, 0, 1, 1], [], []>, precision = #tpu.contract_precision<fp32>, transpose_lhs_hint = false} : vector<400x16xf32>, vector<16x480xf32>, vector<400x480xf32> -> vector<400x480xf32>
    %get3A_538 = arith.constant 0 : index
    %get3A_539 = arith.constant 0 : index
    %get3A_540 = vector.load %arg9[%get3A_538, %get3A_539] : memref<32x480xf32, #tpu.memory_space<vmem>>, vector<32x480xf32>
    %dot_general3A_541 = arith.constant dense<0.000000e+00> : vector<400x480xf32>
    %dot_general3A_542 = tpu.matmul %slice3A_532, %get3A_540, %dot_general3A_541 {dimension_numbers = #tpu.dot_dimension_numbers<[1], [0], [0], [1], [0, 0, 1, 1], [], []>, precision = #tpu.contract_precision<fp32>, transpose_lhs_hint = false} : vector<400x32xf32>, vector<32x480xf32>, vector<400x480xf32> -> vector<400x480xf32>
    %mul3A_543 = arith.mulf %dot_general3A_537, %dot_general3A_542 : vector<400x480xf32>
    %add3A_544 = arith.addf %add3A_494, %mul3A_543 : vector<400x480xf32>
    %get3A_545 = arith.constant 11 : index
    %get3A_546 = arith.constant 0 : index
    %get3A_547 = arith.constant 0 : index
    %get3A_548 = vector.load %arg1[%get3A_545, %get3A_546, %get3A_547] : memref<32x400x48xf32, #tpu.memory_space<vmem>>, vector<1x400x48xf32>
    %get3A_549 = vector.shape_cast %get3A_548 : vector<1x400x48xf32> to vector<400x48xf32>
    %slice3A_550 = vector.extract_strided_slice %get3A_549 {offsets = [0, 32], sizes = [400, 8], strides = [1, 1]} : vector<400x48xf32> to vector<400x8xf32>
    %sub3A_551 = arith.subf %slice3A_550, %get3A_1 : vector<400x8xf32>
    %mul3A_552 = arith.mulf %sub3A_551, %sub3A_551 : vector<400x8xf32>
    %reduce_sum3A_553 = arith.constant dense<0.000000e+00> : vector<400xf32>
    %reduce_sum3A_554 = vector.multi_reduction <add>, %mul3A_552, %reduce_sum3A_553 [1] : vector<400x8xf32> to vector<400xf32>
    %broadcast_in_dim3A_555 = vector.shape_cast %reduce_sum3A_554 : vector<400xf32> to vector<400x1xf32>
    %sub3A_556 = arith.constant 1.000000e+00 : f32
    %sub3A_557 = vector.broadcast %sub3A_556 : f32 to vector<400x1xf32>
    %sub3A_558 = arith.subf %broadcast_in_dim3A_555, %sub3A_557 : vector<400x1xf32>
    %get3A_559 = arith.constant 0 : index
    %get3A_560 = arith.constant 0 : index
    %get3A_561 = vector.load %arg7[%get3A_559, %get3A_560] : memref<8x16xf32, #tpu.memory_space<vmem>>, vector<8x16xf32>
    %dot_general3A_562 = arith.constant dense<0.000000e+00> : vector<400x16xf32>
    %dot_general3A_563 = tpu.matmul %sub3A_551, %get3A_561, %dot_general3A_562 {dimension_numbers = #tpu.dot_dimension_numbers<[1], [0], [0], [1], [0, 0, 1, 1], [], []>, precision = #tpu.contract_precision<fp32>, transpose_lhs_hint = false} : vector<400x8xf32>, vector<8x16xf32>, vector<400x16xf32> -> vector<400x16xf32>
    %mul3A_564 = arith.constant 2.000000e+00 : f32
    %mul3A_565 = vector.broadcast %mul3A_564 : f32 to vector<400x16xf32>
    %mul3A_566 = arith.mulf %mul3A_565, %dot_general3A_563 : vector<400x16xf32>
    %sub3A_567 = vector.broadcast %sub3A_558 : vector<400x1xf32> to vector<400x16xf32>
    %sub3A_568 = arith.subf %sub3A_567, %mul3A_566 : vector<400x16xf32>
    %max3A_569 = arith.constant 0.000000e+00 : f32
    %max3A_570 = vector.broadcast %max3A_569 : f32 to vector<400x16xf32>
    %max3A_571 = arith.maximumf %sub3A_568, %max3A_570 : vector<400x16xf32>
    %add3A_572 = arith.constant 9.99999996E-13 : f32
    %add3A_573 = vector.broadcast %add3A_572 : f32 to vector<400x16xf32>
    %add3A_574 = arith.addf %max3A_571, %add3A_573 : vector<400x16xf32>
    %sqrt3A_575 = math.sqrt %add3A_574 : vector<400x16xf32>
    %sub3A_576 = arith.constant 1.000000e+00 : f32
    %sub3A_577 = vector.broadcast %sub3A_576 : f32 to vector<400x16xf32>
    %sub3A_578 = arith.subf %sub3A_577, %sqrt3A_575 : vector<400x16xf32>
    %max3A_579 = arith.constant 0.000000e+00 : f32
    %max3A_580 = vector.broadcast %max3A_579 : f32 to vector<400x16xf32>
    %max3A_581 = arith.maximumf %sub3A_578, %max3A_580 : vector<400x16xf32>
    %slice3A_582 = vector.extract_strided_slice %get3A_549 {offsets = [0, 0], sizes = [400, 32], strides = [1, 1]} : vector<400x48xf32> to vector<400x32xf32>
    %get3A_583 = arith.constant 0 : index
    %get3A_584 = arith.constant 0 : index
    %get3A_585 = vector.load %arg8[%get3A_583, %get3A_584] : memref<16x480xf32, #tpu.memory_space<vmem>>, vector<16x480xf32>
    %dot_general3A_586 = arith.constant dense<0.000000e+00> : vector<400x480xf32>
    %dot_general3A_587 = tpu.matmul %max3A_581, %get3A_585, %dot_general3A_586 {dimension_numbers = #tpu.dot_dimension_numbers<[1], [0], [0], [1], [0, 0, 1, 1], [], []>, precision = #tpu.contract_precision<fp32>, transpose_lhs_hint = false} : vector<400x16xf32>, vector<16x480xf32>, vector<400x480xf32> -> vector<400x480xf32>
    %get3A_588 = arith.constant 0 : index
    %get3A_589 = arith.constant 0 : index
    %get3A_590 = vector.load %arg9[%get3A_588, %get3A_589] : memref<32x480xf32, #tpu.memory_space<vmem>>, vector<32x480xf32>
    %dot_general3A_591 = arith.constant dense<0.000000e+00> : vector<400x480xf32>
    %dot_general3A_592 = tpu.matmul %slice3A_582, %get3A_590, %dot_general3A_591 {dimension_numbers = #tpu.dot_dimension_numbers<[1], [0], [0], [1], [0, 0, 1, 1], [], []>, precision = #tpu.contract_precision<fp32>, transpose_lhs_hint = false} : vector<400x32xf32>, vector<32x480xf32>, vector<400x480xf32> -> vector<400x480xf32>
    %mul3A_593 = arith.mulf %dot_general3A_587, %dot_general3A_592 : vector<400x480xf32>
    %add3A_594 = arith.addf %add3A_544, %mul3A_593 : vector<400x480xf32>
    %get3A_595 = arith.constant 12 : index
    %get3A_596 = arith.constant 0 : index
    %get3A_597 = arith.constant 0 : index
    %get3A_598 = vector.load %arg1[%get3A_595, %get3A_596, %get3A_597] : memref<32x400x48xf32, #tpu.memory_space<vmem>>, vector<1x400x48xf32>
    %get3A_599 = vector.shape_cast %get3A_598 : vector<1x400x48xf32> to vector<400x48xf32>
    %slice3A_600 = vector.extract_strided_slice %get3A_599 {offsets = [0, 32], sizes = [400, 8], strides = [1, 1]} : vector<400x48xf32> to vector<400x8xf32>
    %sub3A_601 = arith.subf %slice3A_600, %get3A_1 : vector<400x8xf32>
    %mul3A_602 = arith.mulf %sub3A_601, %sub3A_601 : vector<400x8xf32>
    %reduce_sum3A_603 = arith.constant dense<0.000000e+00> : vector<400xf32>
    %reduce_sum3A_604 = vector.multi_reduction <add>, %mul3A_602, %reduce_sum3A_603 [1] : vector<400x8xf32> to vector<400xf32>
    %broadcast_in_dim3A_605 = vector.shape_cast %reduce_sum3A_604 : vector<400xf32> to vector<400x1xf32>
    %sub3A_606 = arith.constant 1.000000e+00 : f32
    %sub3A_607 = vector.broadcast %sub3A_606 : f32 to vector<400x1xf32>
    %sub3A_608 = arith.subf %broadcast_in_dim3A_605, %sub3A_607 : vector<400x1xf32>
    %get3A_609 = arith.constant 0 : index
    %get3A_610 = arith.constant 0 : index
    %get3A_611 = vector.load %arg7[%get3A_609, %get3A_610] : memref<8x16xf32, #tpu.memory_space<vmem>>, vector<8x16xf32>
    %dot_general3A_612 = arith.constant dense<0.000000e+00> : vector<400x16xf32>
    %dot_general3A_613 = tpu.matmul %sub3A_601, %get3A_611, %dot_general3A_612 {dimension_numbers = #tpu.dot_dimension_numbers<[1], [0], [0], [1], [0, 0, 1, 1], [], []>, precision = #tpu.contract_precision<fp32>, transpose_lhs_hint = false} : vector<400x8xf32>, vector<8x16xf32>, vector<400x16xf32> -> vector<400x16xf32>
    %mul3A_614 = arith.constant 2.000000e+00 : f32
    %mul3A_615 = vector.broadcast %mul3A_614 : f32 to vector<400x16xf32>
    %mul3A_616 = arith.mulf %mul3A_615, %dot_general3A_613 : vector<400x16xf32>
    %sub3A_617 = vector.broadcast %sub3A_608 : vector<400x1xf32> to vector<400x16xf32>
    %sub3A_618 = arith.subf %sub3A_617, %mul3A_616 : vector<400x16xf32>
    %max3A_619 = arith.constant 0.000000e+00 : f32
    %max3A_620 = vector.broadcast %max3A_619 : f32 to vector<400x16xf32>
    %max3A_621 = arith.maximumf %sub3A_618, %max3A_620 : vector<400x16xf32>
    %add3A_622 = arith.constant 9.99999996E-13 : f32
    %add3A_623 = vector.broadcast %add3A_622 : f32 to vector<400x16xf32>
    %add3A_624 = arith.addf %max3A_621, %add3A_623 : vector<400x16xf32>
    %sqrt3A_625 = math.sqrt %add3A_624 : vector<400x16xf32>
    %sub3A_626 = arith.constant 1.000000e+00 : f32
    %sub3A_627 = vector.broadcast %sub3A_626 : f32 to vector<400x16xf32>
    %sub3A_628 = arith.subf %sub3A_627, %sqrt3A_625 : vector<400x16xf32>
    %max3A_629 = arith.constant 0.000000e+00 : f32
    %max3A_630 = vector.broadcast %max3A_629 : f32 to vector<400x16xf32>
    %max3A_631 = arith.maximumf %sub3A_628, %max3A_630 : vector<400x16xf32>
    %slice3A_632 = vector.extract_strided_slice %get3A_599 {offsets = [0, 0], sizes = [400, 32], strides = [1, 1]} : vector<400x48xf32> to vector<400x32xf32>
    %get3A_633 = arith.constant 0 : index
    %get3A_634 = arith.constant 0 : index
    %get3A_635 = vector.load %arg8[%get3A_633, %get3A_634] : memref<16x480xf32, #tpu.memory_space<vmem>>, vector<16x480xf32>
    %dot_general3A_636 = arith.constant dense<0.000000e+00> : vector<400x480xf32>
    %dot_general3A_637 = tpu.matmul %max3A_631, %get3A_635, %dot_general3A_636 {dimension_numbers = #tpu.dot_dimension_numbers<[1], [0], [0], [1], [0, 0, 1, 1], [], []>, precision = #tpu.contract_precision<fp32>, transpose_lhs_hint = false} : vector<400x16xf32>, vector<16x480xf32>, vector<400x480xf32> -> vector<400x480xf32>
    %get3A_638 = arith.constant 0 : index
    %get3A_639 = arith.constant 0 : index
    %get3A_640 = vector.load %arg9[%get3A_638, %get3A_639] : memref<32x480xf32, #tpu.memory_space<vmem>>, vector<32x480xf32>
    %dot_general3A_641 = arith.constant dense<0.000000e+00> : vector<400x480xf32>
    %dot_general3A_642 = tpu.matmul %slice3A_632, %get3A_640, %dot_general3A_641 {dimension_numbers = #tpu.dot_dimension_numbers<[1], [0], [0], [1], [0, 0, 1, 1], [], []>, precision = #tpu.contract_precision<fp32>, transpose_lhs_hint = false} : vector<400x32xf32>, vector<32x480xf32>, vector<400x480xf32> -> vector<400x480xf32>
    %mul3A_643 = arith.mulf %dot_general3A_637, %dot_general3A_642 : vector<400x480xf32>
    %add3A_644 = arith.addf %add3A_594, %mul3A_643 : vector<400x480xf32>
    %get3A_645 = arith.constant 13 : index
    %get3A_646 = arith.constant 0 : index
    %get3A_647 = arith.constant 0 : index
    %get3A_648 = vector.load %arg1[%get3A_645, %get3A_646, %get3A_647] : memref<32x400x48xf32, #tpu.memory_space<vmem>>, vector<1x400x48xf32>
    %get3A_649 = vector.shape_cast %get3A_648 : vector<1x400x48xf32> to vector<400x48xf32>
    %slice3A_650 = vector.extract_strided_slice %get3A_649 {offsets = [0, 32], sizes = [400, 8], strides = [1, 1]} : vector<400x48xf32> to vector<400x8xf32>
    %sub3A_651 = arith.subf %slice3A_650, %get3A_1 : vector<400x8xf32>
    %mul3A_652 = arith.mulf %sub3A_651, %sub3A_651 : vector<400x8xf32>
    %reduce_sum3A_653 = arith.constant dense<0.000000e+00> : vector<400xf32>
    %reduce_sum3A_654 = vector.multi_reduction <add>, %mul3A_652, %reduce_sum3A_653 [1] : vector<400x8xf32> to vector<400xf32>
    %broadcast_in_dim3A_655 = vector.shape_cast %reduce_sum3A_654 : vector<400xf32> to vector<400x1xf32>
    %sub3A_656 = arith.constant 1.000000e+00 : f32
    %sub3A_657 = vector.broadcast %sub3A_656 : f32 to vector<400x1xf32>
    %sub3A_658 = arith.subf %broadcast_in_dim3A_655, %sub3A_657 : vector<400x1xf32>
    %get3A_659 = arith.constant 0 : index
    %get3A_660 = arith.constant 0 : index
    %get3A_661 = vector.load %arg7[%get3A_659, %get3A_660] : memref<8x16xf32, #tpu.memory_space<vmem>>, vector<8x16xf32>
    %dot_general3A_662 = arith.constant dense<0.000000e+00> : vector<400x16xf32>
    %dot_general3A_663 = tpu.matmul %sub3A_651, %get3A_661, %dot_general3A_662 {dimension_numbers = #tpu.dot_dimension_numbers<[1], [0], [0], [1], [0, 0, 1, 1], [], []>, precision = #tpu.contract_precision<fp32>, transpose_lhs_hint = false} : vector<400x8xf32>, vector<8x16xf32>, vector<400x16xf32> -> vector<400x16xf32>
    %mul3A_664 = arith.constant 2.000000e+00 : f32
    %mul3A_665 = vector.broadcast %mul3A_664 : f32 to vector<400x16xf32>
    %mul3A_666 = arith.mulf %mul3A_665, %dot_general3A_663 : vector<400x16xf32>
    %sub3A_667 = vector.broadcast %sub3A_658 : vector<400x1xf32> to vector<400x16xf32>
    %sub3A_668 = arith.subf %sub3A_667, %mul3A_666 : vector<400x16xf32>
    %max3A_669 = arith.constant 0.000000e+00 : f32
    %max3A_670 = vector.broadcast %max3A_669 : f32 to vector<400x16xf32>
    %max3A_671 = arith.maximumf %sub3A_668, %max3A_670 : vector<400x16xf32>
    %add3A_672 = arith.constant 9.99999996E-13 : f32
    %add3A_673 = vector.broadcast %add3A_672 : f32 to vector<400x16xf32>
    %add3A_674 = arith.addf %max3A_671, %add3A_673 : vector<400x16xf32>
    %sqrt3A_675 = math.sqrt %add3A_674 : vector<400x16xf32>
    %sub3A_676 = arith.constant 1.000000e+00 : f32
    %sub3A_677 = vector.broadcast %sub3A_676 : f32 to vector<400x16xf32>
    %sub3A_678 = arith.subf %sub3A_677, %sqrt3A_675 : vector<400x16xf32>
    %max3A_679 = arith.constant 0.000000e+00 : f32
    %max3A_680 = vector.broadcast %max3A_679 : f32 to vector<400x16xf32>
    %max3A_681 = arith.maximumf %sub3A_678, %max3A_680 : vector<400x16xf32>
    %slice3A_682 = vector.extract_strided_slice %get3A_649 {offsets = [0, 0], sizes = [400, 32], strides = [1, 1]} : vector<400x48xf32> to vector<400x32xf32>
    %get3A_683 = arith.constant 0 : index
    %get3A_684 = arith.constant 0 : index
    %get3A_685 = vector.load %arg8[%get3A_683, %get3A_684] : memref<16x480xf32, #tpu.memory_space<vmem>>, vector<16x480xf32>
    %dot_general3A_686 = arith.constant dense<0.000000e+00> : vector<400x480xf32>
    %dot_general3A_687 = tpu.matmul %max3A_681, %get3A_685, %dot_general3A_686 {dimension_numbers = #tpu.dot_dimension_numbers<[1], [0], [0], [1], [0, 0, 1, 1], [], []>, precision = #tpu.contract_precision<fp32>, transpose_lhs_hint = false} : vector<400x16xf32>, vector<16x480xf32>, vector<400x480xf32> -> vector<400x480xf32>
    %get3A_688 = arith.constant 0 : index
    %get3A_689 = arith.constant 0 : index
    %get3A_690 = vector.load %arg9[%get3A_688, %get3A_689] : memref<32x480xf32, #tpu.memory_space<vmem>>, vector<32x480xf32>
    %dot_general3A_691 = arith.constant dense<0.000000e+00> : vector<400x480xf32>
    %dot_general3A_692 = tpu.matmul %slice3A_682, %get3A_690, %dot_general3A_691 {dimension_numbers = #tpu.dot_dimension_numbers<[1], [0], [0], [1], [0, 0, 1, 1], [], []>, precision = #tpu.contract_precision<fp32>, transpose_lhs_hint = false} : vector<400x32xf32>, vector<32x480xf32>, vector<400x480xf32> -> vector<400x480xf32>
    %mul3A_693 = arith.mulf %dot_general3A_687, %dot_general3A_692 : vector<400x480xf32>
    %add3A_694 = arith.addf %add3A_644, %mul3A_693 : vector<400x480xf32>
    %get3A_695 = arith.constant 14 : index
    %get3A_696 = arith.constant 0 : index
    %get3A_697 = arith.constant 0 : index
    %get3A_698 = vector.load %arg1[%get3A_695, %get3A_696, %get3A_697] : memref<32x400x48xf32, #tpu.memory_space<vmem>>, vector<1x400x48xf32>
    %get3A_699 = vector.shape_cast %get3A_698 : vector<1x400x48xf32> to vector<400x48xf32>
    %slice3A_700 = vector.extract_strided_slice %get3A_699 {offsets = [0, 32], sizes = [400, 8], strides = [1, 1]} : vector<400x48xf32> to vector<400x8xf32>
    %sub3A_701 = arith.subf %slice3A_700, %get3A_1 : vector<400x8xf32>
    %mul3A_702 = arith.mulf %sub3A_701, %sub3A_701 : vector<400x8xf32>
    %reduce_sum3A_703 = arith.constant dense<0.000000e+00> : vector<400xf32>
    %reduce_sum3A_704 = vector.multi_reduction <add>, %mul3A_702, %reduce_sum3A_703 [1] : vector<400x8xf32> to vector<400xf32>
    %broadcast_in_dim3A_705 = vector.shape_cast %reduce_sum3A_704 : vector<400xf32> to vector<400x1xf32>
    %sub3A_706 = arith.constant 1.000000e+00 : f32
    %sub3A_707 = vector.broadcast %sub3A_706 : f32 to vector<400x1xf32>
    %sub3A_708 = arith.subf %broadcast_in_dim3A_705, %sub3A_707 : vector<400x1xf32>
    %get3A_709 = arith.constant 0 : index
    %get3A_710 = arith.constant 0 : index
    %get3A_711 = vector.load %arg7[%get3A_709, %get3A_710] : memref<8x16xf32, #tpu.memory_space<vmem>>, vector<8x16xf32>
    %dot_general3A_712 = arith.constant dense<0.000000e+00> : vector<400x16xf32>
    %dot_general3A_713 = tpu.matmul %sub3A_701, %get3A_711, %dot_general3A_712 {dimension_numbers = #tpu.dot_dimension_numbers<[1], [0], [0], [1], [0, 0, 1, 1], [], []>, precision = #tpu.contract_precision<fp32>, transpose_lhs_hint = false} : vector<400x8xf32>, vector<8x16xf32>, vector<400x16xf32> -> vector<400x16xf32>
    %mul3A_714 = arith.constant 2.000000e+00 : f32
    %mul3A_715 = vector.broadcast %mul3A_714 : f32 to vector<400x16xf32>
    %mul3A_716 = arith.mulf %mul3A_715, %dot_general3A_713 : vector<400x16xf32>
    %sub3A_717 = vector.broadcast %sub3A_708 : vector<400x1xf32> to vector<400x16xf32>
    %sub3A_718 = arith.subf %sub3A_717, %mul3A_716 : vector<400x16xf32>
    %max3A_719 = arith.constant 0.000000e+00 : f32
    %max3A_720 = vector.broadcast %max3A_719 : f32 to vector<400x16xf32>
    %max3A_721 = arith.maximumf %sub3A_718, %max3A_720 : vector<400x16xf32>
    %add3A_722 = arith.constant 9.99999996E-13 : f32
    %add3A_723 = vector.broadcast %add3A_722 : f32 to vector<400x16xf32>
    %add3A_724 = arith.addf %max3A_721, %add3A_723 : vector<400x16xf32>
    %sqrt3A_725 = math.sqrt %add3A_724 : vector<400x16xf32>
    %sub3A_726 = arith.constant 1.000000e+00 : f32
    %sub3A_727 = vector.broadcast %sub3A_726 : f32 to vector<400x16xf32>
    %sub3A_728 = arith.subf %sub3A_727, %sqrt3A_725 : vector<400x16xf32>
    %max3A_729 = arith.constant 0.000000e+00 : f32
    %max3A_730 = vector.broadcast %max3A_729 : f32 to vector<400x16xf32>
    %max3A_731 = arith.maximumf %sub3A_728, %max3A_730 : vector<400x16xf32>
    %slice3A_732 = vector.extract_strided_slice %get3A_699 {offsets = [0, 0], sizes = [400, 32], strides = [1, 1]} : vector<400x48xf32> to vector<400x32xf32>
    %get3A_733 = arith.constant 0 : index
    %get3A_734 = arith.constant 0 : index
    %get3A_735 = vector.load %arg8[%get3A_733, %get3A_734] : memref<16x480xf32, #tpu.memory_space<vmem>>, vector<16x480xf32>
    %dot_general3A_736 = arith.constant dense<0.000000e+00> : vector<400x480xf32>
    %dot_general3A_737 = tpu.matmul %max3A_731, %get3A_735, %dot_general3A_736 {dimension_numbers = #tpu.dot_dimension_numbers<[1], [0], [0], [1], [0, 0, 1, 1], [], []>, precision = #tpu.contract_precision<fp32>, transpose_lhs_hint = false} : vector<400x16xf32>, vector<16x480xf32>, vector<400x480xf32> -> vector<400x480xf32>
    %get3A_738 = arith.constant 0 : index
    %get3A_739 = arith.constant 0 : index
    %get3A_740 = vector.load %arg9[%get3A_738, %get3A_739] : memref<32x480xf32, #tpu.memory_space<vmem>>, vector<32x480xf32>
    %dot_general3A_741 = arith.constant dense<0.000000e+00> : vector<400x480xf32>
    %dot_general3A_742 = tpu.matmul %slice3A_732, %get3A_740, %dot_general3A_741 {dimension_numbers = #tpu.dot_dimension_numbers<[1], [0], [0], [1], [0, 0, 1, 1], [], []>, precision = #tpu.contract_precision<fp32>, transpose_lhs_hint = false} : vector<400x32xf32>, vector<32x480xf32>, vector<400x480xf32> -> vector<400x480xf32>
    %mul3A_743 = arith.mulf %dot_general3A_737, %dot_general3A_742 : vector<400x480xf32>
    %add3A_744 = arith.addf %add3A_694, %mul3A_743 : vector<400x480xf32>
    %get3A_745 = arith.constant 15 : index
    %get3A_746 = arith.constant 0 : index
    %get3A_747 = arith.constant 0 : index
    %get3A_748 = vector.load %arg1[%get3A_745, %get3A_746, %get3A_747] : memref<32x400x48xf32, #tpu.memory_space<vmem>>, vector<1x400x48xf32>
    %get3A_749 = vector.shape_cast %get3A_748 : vector<1x400x48xf32> to vector<400x48xf32>
    %slice3A_750 = vector.extract_strided_slice %get3A_749 {offsets = [0, 32], sizes = [400, 8], strides = [1, 1]} : vector<400x48xf32> to vector<400x8xf32>
    %sub3A_751 = arith.subf %slice3A_750, %get3A_1 : vector<400x8xf32>
    %mul3A_752 = arith.mulf %sub3A_751, %sub3A_751 : vector<400x8xf32>
    %reduce_sum3A_753 = arith.constant dense<0.000000e+00> : vector<400xf32>
    %reduce_sum3A_754 = vector.multi_reduction <add>, %mul3A_752, %reduce_sum3A_753 [1] : vector<400x8xf32> to vector<400xf32>
    %broadcast_in_dim3A_755 = vector.shape_cast %reduce_sum3A_754 : vector<400xf32> to vector<400x1xf32>
    %sub3A_756 = arith.constant 1.000000e+00 : f32
    %sub3A_757 = vector.broadcast %sub3A_756 : f32 to vector<400x1xf32>
    %sub3A_758 = arith.subf %broadcast_in_dim3A_755, %sub3A_757 : vector<400x1xf32>
    %get3A_759 = arith.constant 0 : index
    %get3A_760 = arith.constant 0 : index
    %get3A_761 = vector.load %arg7[%get3A_759, %get3A_760] : memref<8x16xf32, #tpu.memory_space<vmem>>, vector<8x16xf32>
    %dot_general3A_762 = arith.constant dense<0.000000e+00> : vector<400x16xf32>
    %dot_general3A_763 = tpu.matmul %sub3A_751, %get3A_761, %dot_general3A_762 {dimension_numbers = #tpu.dot_dimension_numbers<[1], [0], [0], [1], [0, 0, 1, 1], [], []>, precision = #tpu.contract_precision<fp32>, transpose_lhs_hint = false} : vector<400x8xf32>, vector<8x16xf32>, vector<400x16xf32> -> vector<400x16xf32>
    %mul3A_764 = arith.constant 2.000000e+00 : f32
    %mul3A_765 = vector.broadcast %mul3A_764 : f32 to vector<400x16xf32>
    %mul3A_766 = arith.mulf %mul3A_765, %dot_general3A_763 : vector<400x16xf32>
    %sub3A_767 = vector.broadcast %sub3A_758 : vector<400x1xf32> to vector<400x16xf32>
    %sub3A_768 = arith.subf %sub3A_767, %mul3A_766 : vector<400x16xf32>
    %max3A_769 = arith.constant 0.000000e+00 : f32
    %max3A_770 = vector.broadcast %max3A_769 : f32 to vector<400x16xf32>
    %max3A_771 = arith.maximumf %sub3A_768, %max3A_770 : vector<400x16xf32>
    %add3A_772 = arith.constant 9.99999996E-13 : f32
    %add3A_773 = vector.broadcast %add3A_772 : f32 to vector<400x16xf32>
    %add3A_774 = arith.addf %max3A_771, %add3A_773 : vector<400x16xf32>
    %sqrt3A_775 = math.sqrt %add3A_774 : vector<400x16xf32>
    %sub3A_776 = arith.constant 1.000000e+00 : f32
    %sub3A_777 = vector.broadcast %sub3A_776 : f32 to vector<400x16xf32>
    %sub3A_778 = arith.subf %sub3A_777, %sqrt3A_775 : vector<400x16xf32>
    %max3A_779 = arith.constant 0.000000e+00 : f32
    %max3A_780 = vector.broadcast %max3A_779 : f32 to vector<400x16xf32>
    %max3A_781 = arith.maximumf %sub3A_778, %max3A_780 : vector<400x16xf32>
    %slice3A_782 = vector.extract_strided_slice %get3A_749 {offsets = [0, 0], sizes = [400, 32], strides = [1, 1]} : vector<400x48xf32> to vector<400x32xf32>
    %get3A_783 = arith.constant 0 : index
    %get3A_784 = arith.constant 0 : index
    %get3A_785 = vector.load %arg8[%get3A_783, %get3A_784] : memref<16x480xf32, #tpu.memory_space<vmem>>, vector<16x480xf32>
    %dot_general3A_786 = arith.constant dense<0.000000e+00> : vector<400x480xf32>
    %dot_general3A_787 = tpu.matmul %max3A_781, %get3A_785, %dot_general3A_786 {dimension_numbers = #tpu.dot_dimension_numbers<[1], [0], [0], [1], [0, 0, 1, 1], [], []>, precision = #tpu.contract_precision<fp32>, transpose_lhs_hint = false} : vector<400x16xf32>, vector<16x480xf32>, vector<400x480xf32> -> vector<400x480xf32>
    %get3A_788 = arith.constant 0 : index
    %get3A_789 = arith.constant 0 : index
    %get3A_790 = vector.load %arg9[%get3A_788, %get3A_789] : memref<32x480xf32, #tpu.memory_space<vmem>>, vector<32x480xf32>
    %dot_general3A_791 = arith.constant dense<0.000000e+00> : vector<400x480xf32>
    %dot_general3A_792 = tpu.matmul %slice3A_782, %get3A_790, %dot_general3A_791 {dimension_numbers = #tpu.dot_dimension_numbers<[1], [0], [0], [1], [0, 0, 1, 1], [], []>, precision = #tpu.contract_precision<fp32>, transpose_lhs_hint = false} : vector<400x32xf32>, vector<32x480xf32>, vector<400x480xf32> -> vector<400x480xf32>
    %mul3A_793 = arith.mulf %dot_general3A_787, %dot_general3A_792 : vector<400x480xf32>
    %add3A_794 = arith.addf %add3A_744, %mul3A_793 : vector<400x480xf32>
    %get3A_795 = arith.constant 16 : index
    %get3A_796 = arith.constant 0 : index
    %get3A_797 = arith.constant 0 : index
    %get3A_798 = vector.load %arg1[%get3A_795, %get3A_796, %get3A_797] : memref<32x400x48xf32, #tpu.memory_space<vmem>>, vector<1x400x48xf32>
    %get3A_799 = vector.shape_cast %get3A_798 : vector<1x400x48xf32> to vector<400x48xf32>
    %slice3A_800 = vector.extract_strided_slice %get3A_799 {offsets = [0, 32], sizes = [400, 8], strides = [1, 1]} : vector<400x48xf32> to vector<400x8xf32>
    %sub3A_801 = arith.subf %slice3A_800, %get3A_1 : vector<400x8xf32>
    %mul3A_802 = arith.mulf %sub3A_801, %sub3A_801 : vector<400x8xf32>
    %reduce_sum3A_803 = arith.constant dense<0.000000e+00> : vector<400xf32>
    %reduce_sum3A_804 = vector.multi_reduction <add>, %mul3A_802, %reduce_sum3A_803 [1] : vector<400x8xf32> to vector<400xf32>
    %broadcast_in_dim3A_805 = vector.shape_cast %reduce_sum3A_804 : vector<400xf32> to vector<400x1xf32>
    %sub3A_806 = arith.constant 1.000000e+00 : f32
    %sub3A_807 = vector.broadcast %sub3A_806 : f32 to vector<400x1xf32>
    %sub3A_808 = arith.subf %broadcast_in_dim3A_805, %sub3A_807 : vector<400x1xf32>
    %get3A_809 = arith.constant 0 : index
    %get3A_810 = arith.constant 0 : index
    %get3A_811 = vector.load %arg7[%get3A_809, %get3A_810] : memref<8x16xf32, #tpu.memory_space<vmem>>, vector<8x16xf32>
    %dot_general3A_812 = arith.constant dense<0.000000e+00> : vector<400x16xf32>
    %dot_general3A_813 = tpu.matmul %sub3A_801, %get3A_811, %dot_general3A_812 {dimension_numbers = #tpu.dot_dimension_numbers<[1], [0], [0], [1], [0, 0, 1, 1], [], []>, precision = #tpu.contract_precision<fp32>, transpose_lhs_hint = false} : vector<400x8xf32>, vector<8x16xf32>, vector<400x16xf32> -> vector<400x16xf32>
    %mul3A_814 = arith.constant 2.000000e+00 : f32
    %mul3A_815 = vector.broadcast %mul3A_814 : f32 to vector<400x16xf32>
    %mul3A_816 = arith.mulf %mul3A_815, %dot_general3A_813 : vector<400x16xf32>
    %sub3A_817 = vector.broadcast %sub3A_808 : vector<400x1xf32> to vector<400x16xf32>
    %sub3A_818 = arith.subf %sub3A_817, %mul3A_816 : vector<400x16xf32>
    %max3A_819 = arith.constant 0.000000e+00 : f32
    %max3A_820 = vector.broadcast %max3A_819 : f32 to vector<400x16xf32>
    %max3A_821 = arith.maximumf %sub3A_818, %max3A_820 : vector<400x16xf32>
    %add3A_822 = arith.constant 9.99999996E-13 : f32
    %add3A_823 = vector.broadcast %add3A_822 : f32 to vector<400x16xf32>
    %add3A_824 = arith.addf %max3A_821, %add3A_823 : vector<400x16xf32>
    %sqrt3A_825 = math.sqrt %add3A_824 : vector<400x16xf32>
    %sub3A_826 = arith.constant 1.000000e+00 : f32
    %sub3A_827 = vector.broadcast %sub3A_826 : f32 to vector<400x16xf32>
    %sub3A_828 = arith.subf %sub3A_827, %sqrt3A_825 : vector<400x16xf32>
    %max3A_829 = arith.constant 0.000000e+00 : f32
    %max3A_830 = vector.broadcast %max3A_829 : f32 to vector<400x16xf32>
    %max3A_831 = arith.maximumf %sub3A_828, %max3A_830 : vector<400x16xf32>
    %slice3A_832 = vector.extract_strided_slice %get3A_799 {offsets = [0, 0], sizes = [400, 32], strides = [1, 1]} : vector<400x48xf32> to vector<400x32xf32>
    %get3A_833 = arith.constant 0 : index
    %get3A_834 = arith.constant 0 : index
    %get3A_835 = vector.load %arg8[%get3A_833, %get3A_834] : memref<16x480xf32, #tpu.memory_space<vmem>>, vector<16x480xf32>
    %dot_general3A_836 = arith.constant dense<0.000000e+00> : vector<400x480xf32>
    %dot_general3A_837 = tpu.matmul %max3A_831, %get3A_835, %dot_general3A_836 {dimension_numbers = #tpu.dot_dimension_numbers<[1], [0], [0], [1], [0, 0, 1, 1], [], []>, precision = #tpu.contract_precision<fp32>, transpose_lhs_hint = false} : vector<400x16xf32>, vector<16x480xf32>, vector<400x480xf32> -> vector<400x480xf32>
    %get3A_838 = arith.constant 0 : index
    %get3A_839 = arith.constant 0 : index
    %get3A_840 = vector.load %arg9[%get3A_838, %get3A_839] : memref<32x480xf32, #tpu.memory_space<vmem>>, vector<32x480xf32>
    %dot_general3A_841 = arith.constant dense<0.000000e+00> : vector<400x480xf32>
    %dot_general3A_842 = tpu.matmul %slice3A_832, %get3A_840, %dot_general3A_841 {dimension_numbers = #tpu.dot_dimension_numbers<[1], [0], [0], [1], [0, 0, 1, 1], [], []>, precision = #tpu.contract_precision<fp32>, transpose_lhs_hint = false} : vector<400x32xf32>, vector<32x480xf32>, vector<400x480xf32> -> vector<400x480xf32>
    %mul3A_843 = arith.mulf %dot_general3A_837, %dot_general3A_842 : vector<400x480xf32>
    %add3A_844 = arith.addf %add3A_794, %mul3A_843 : vector<400x480xf32>
    %get3A_845 = arith.constant 17 : index
    %get3A_846 = arith.constant 0 : index
    %get3A_847 = arith.constant 0 : index
    %get3A_848 = vector.load %arg1[%get3A_845, %get3A_846, %get3A_847] : memref<32x400x48xf32, #tpu.memory_space<vmem>>, vector<1x400x48xf32>
    %get3A_849 = vector.shape_cast %get3A_848 : vector<1x400x48xf32> to vector<400x48xf32>
    %slice3A_850 = vector.extract_strided_slice %get3A_849 {offsets = [0, 32], sizes = [400, 8], strides = [1, 1]} : vector<400x48xf32> to vector<400x8xf32>
    %sub3A_851 = arith.subf %slice3A_850, %get3A_1 : vector<400x8xf32>
    %mul3A_852 = arith.mulf %sub3A_851, %sub3A_851 : vector<400x8xf32>
    %reduce_sum3A_853 = arith.constant dense<0.000000e+00> : vector<400xf32>
    %reduce_sum3A_854 = vector.multi_reduction <add>, %mul3A_852, %reduce_sum3A_853 [1] : vector<400x8xf32> to vector<400xf32>
    %broadcast_in_dim3A_855 = vector.shape_cast %reduce_sum3A_854 : vector<400xf32> to vector<400x1xf32>
    %sub3A_856 = arith.constant 1.000000e+00 : f32
    %sub3A_857 = vector.broadcast %sub3A_856 : f32 to vector<400x1xf32>
    %sub3A_858 = arith.subf %broadcast_in_dim3A_855, %sub3A_857 : vector<400x1xf32>
    %get3A_859 = arith.constant 0 : index
    %get3A_860 = arith.constant 0 : index
    %get3A_861 = vector.load %arg7[%get3A_859, %get3A_860] : memref<8x16xf32, #tpu.memory_space<vmem>>, vector<8x16xf32>
    %dot_general3A_862 = arith.constant dense<0.000000e+00> : vector<400x16xf32>
    %dot_general3A_863 = tpu.matmul %sub3A_851, %get3A_861, %dot_general3A_862 {dimension_numbers = #tpu.dot_dimension_numbers<[1], [0], [0], [1], [0, 0, 1, 1], [], []>, precision = #tpu.contract_precision<fp32>, transpose_lhs_hint = false} : vector<400x8xf32>, vector<8x16xf32>, vector<400x16xf32> -> vector<400x16xf32>
    %mul3A_864 = arith.constant 2.000000e+00 : f32
    %mul3A_865 = vector.broadcast %mul3A_864 : f32 to vector<400x16xf32>
    %mul3A_866 = arith.mulf %mul3A_865, %dot_general3A_863 : vector<400x16xf32>
    %sub3A_867 = vector.broadcast %sub3A_858 : vector<400x1xf32> to vector<400x16xf32>
    %sub3A_868 = arith.subf %sub3A_867, %mul3A_866 : vector<400x16xf32>
    %max3A_869 = arith.constant 0.000000e+00 : f32
    %max3A_870 = vector.broadcast %max3A_869 : f32 to vector<400x16xf32>
    %max3A_871 = arith.maximumf %sub3A_868, %max3A_870 : vector<400x16xf32>
    %add3A_872 = arith.constant 9.99999996E-13 : f32
    %add3A_873 = vector.broadcast %add3A_872 : f32 to vector<400x16xf32>
    %add3A_874 = arith.addf %max3A_871, %add3A_873 : vector<400x16xf32>
    %sqrt3A_875 = math.sqrt %add3A_874 : vector<400x16xf32>
    %sub3A_876 = arith.constant 1.000000e+00 : f32
    %sub3A_877 = vector.broadcast %sub3A_876 : f32 to vector<400x16xf32>
    %sub3A_878 = arith.subf %sub3A_877, %sqrt3A_875 : vector<400x16xf32>
    %max3A_879 = arith.constant 0.000000e+00 : f32
    %max3A_880 = vector.broadcast %max3A_879 : f32 to vector<400x16xf32>
    %max3A_881 = arith.maximumf %sub3A_878, %max3A_880 : vector<400x16xf32>
    %slice3A_882 = vector.extract_strided_slice %get3A_849 {offsets = [0, 0], sizes = [400, 32], strides = [1, 1]} : vector<400x48xf32> to vector<400x32xf32>
    %get3A_883 = arith.constant 0 : index
    %get3A_884 = arith.constant 0 : index
    %get3A_885 = vector.load %arg8[%get3A_883, %get3A_884] : memref<16x480xf32, #tpu.memory_space<vmem>>, vector<16x480xf32>
    %dot_general3A_886 = arith.constant dense<0.000000e+00> : vector<400x480xf32>
    %dot_general3A_887 = tpu.matmul %max3A_881, %get3A_885, %dot_general3A_886 {dimension_numbers = #tpu.dot_dimension_numbers<[1], [0], [0], [1], [0, 0, 1, 1], [], []>, precision = #tpu.contract_precision<fp32>, transpose_lhs_hint = false} : vector<400x16xf32>, vector<16x480xf32>, vector<400x480xf32> -> vector<400x480xf32>
    %get3A_888 = arith.constant 0 : index
    %get3A_889 = arith.constant 0 : index
    %get3A_890 = vector.load %arg9[%get3A_888, %get3A_889] : memref<32x480xf32, #tpu.memory_space<vmem>>, vector<32x480xf32>
    %dot_general3A_891 = arith.constant dense<0.000000e+00> : vector<400x480xf32>
    %dot_general3A_892 = tpu.matmul %slice3A_882, %get3A_890, %dot_general3A_891 {dimension_numbers = #tpu.dot_dimension_numbers<[1], [0], [0], [1], [0, 0, 1, 1], [], []>, precision = #tpu.contract_precision<fp32>, transpose_lhs_hint = false} : vector<400x32xf32>, vector<32x480xf32>, vector<400x480xf32> -> vector<400x480xf32>
    %mul3A_893 = arith.mulf %dot_general3A_887, %dot_general3A_892 : vector<400x480xf32>
    %add3A_894 = arith.addf %add3A_844, %mul3A_893 : vector<400x480xf32>
    %get3A_895 = arith.constant 18 : index
    %get3A_896 = arith.constant 0 : index
    %get3A_897 = arith.constant 0 : index
    %get3A_898 = vector.load %arg1[%get3A_895, %get3A_896, %get3A_897] : memref<32x400x48xf32, #tpu.memory_space<vmem>>, vector<1x400x48xf32>
    %get3A_899 = vector.shape_cast %get3A_898 : vector<1x400x48xf32> to vector<400x48xf32>
    %slice3A_900 = vector.extract_strided_slice %get3A_899 {offsets = [0, 32], sizes = [400, 8], strides = [1, 1]} : vector<400x48xf32> to vector<400x8xf32>
    %sub3A_901 = arith.subf %slice3A_900, %get3A_1 : vector<400x8xf32>
    %mul3A_902 = arith.mulf %sub3A_901, %sub3A_901 : vector<400x8xf32>
    %reduce_sum3A_903 = arith.constant dense<0.000000e+00> : vector<400xf32>
    %reduce_sum3A_904 = vector.multi_reduction <add>, %mul3A_902, %reduce_sum3A_903 [1] : vector<400x8xf32> to vector<400xf32>
    %broadcast_in_dim3A_905 = vector.shape_cast %reduce_sum3A_904 : vector<400xf32> to vector<400x1xf32>
    %sub3A_906 = arith.constant 1.000000e+00 : f32
    %sub3A_907 = vector.broadcast %sub3A_906 : f32 to vector<400x1xf32>
    %sub3A_908 = arith.subf %broadcast_in_dim3A_905, %sub3A_907 : vector<400x1xf32>
    %get3A_909 = arith.constant 0 : index
    %get3A_910 = arith.constant 0 : index
    %get3A_911 = vector.load %arg7[%get3A_909, %get3A_910] : memref<8x16xf32, #tpu.memory_space<vmem>>, vector<8x16xf32>
    %dot_general3A_912 = arith.constant dense<0.000000e+00> : vector<400x16xf32>
    %dot_general3A_913 = tpu.matmul %sub3A_901, %get3A_911, %dot_general3A_912 {dimension_numbers = #tpu.dot_dimension_numbers<[1], [0], [0], [1], [0, 0, 1, 1], [], []>, precision = #tpu.contract_precision<fp32>, transpose_lhs_hint = false} : vector<400x8xf32>, vector<8x16xf32>, vector<400x16xf32> -> vector<400x16xf32>
    %mul3A_914 = arith.constant 2.000000e+00 : f32
    %mul3A_915 = vector.broadcast %mul3A_914 : f32 to vector<400x16xf32>
    %mul3A_916 = arith.mulf %mul3A_915, %dot_general3A_913 : vector<400x16xf32>
    %sub3A_917 = vector.broadcast %sub3A_908 : vector<400x1xf32> to vector<400x16xf32>
    %sub3A_918 = arith.subf %sub3A_917, %mul3A_916 : vector<400x16xf32>
    %max3A_919 = arith.constant 0.000000e+00 : f32
    %max3A_920 = vector.broadcast %max3A_919 : f32 to vector<400x16xf32>
    %max3A_921 = arith.maximumf %sub3A_918, %max3A_920 : vector<400x16xf32>
    %add3A_922 = arith.constant 9.99999996E-13 : f32
    %add3A_923 = vector.broadcast %add3A_922 : f32 to vector<400x16xf32>
    %add3A_924 = arith.addf %max3A_921, %add3A_923 : vector<400x16xf32>
    %sqrt3A_925 = math.sqrt %add3A_924 : vector<400x16xf32>
    %sub3A_926 = arith.constant 1.000000e+00 : f32
    %sub3A_927 = vector.broadcast %sub3A_926 : f32 to vector<400x16xf32>
    %sub3A_928 = arith.subf %sub3A_927, %sqrt3A_925 : vector<400x16xf32>
    %max3A_929 = arith.constant 0.000000e+00 : f32
    %max3A_930 = vector.broadcast %max3A_929 : f32 to vector<400x16xf32>
    %max3A_931 = arith.maximumf %sub3A_928, %max3A_930 : vector<400x16xf32>
    %slice3A_932 = vector.extract_strided_slice %get3A_899 {offsets = [0, 0], sizes = [400, 32], strides = [1, 1]} : vector<400x48xf32> to vector<400x32xf32>
    %get3A_933 = arith.constant 0 : index
    %get3A_934 = arith.constant 0 : index
    %get3A_935 = vector.load %arg8[%get3A_933, %get3A_934] : memref<16x480xf32, #tpu.memory_space<vmem>>, vector<16x480xf32>
    %dot_general3A_936 = arith.constant dense<0.000000e+00> : vector<400x480xf32>
    %dot_general3A_937 = tpu.matmul %max3A_931, %get3A_935, %dot_general3A_936 {dimension_numbers = #tpu.dot_dimension_numbers<[1], [0], [0], [1], [0, 0, 1, 1], [], []>, precision = #tpu.contract_precision<fp32>, transpose_lhs_hint = false} : vector<400x16xf32>, vector<16x480xf32>, vector<400x480xf32> -> vector<400x480xf32>
    %get3A_938 = arith.constant 0 : index
    %get3A_939 = arith.constant 0 : index
    %get3A_940 = vector.load %arg9[%get3A_938, %get3A_939] : memref<32x480xf32, #tpu.memory_space<vmem>>, vector<32x480xf32>
    %dot_general3A_941 = arith.constant dense<0.000000e+00> : vector<400x480xf32>
    %dot_general3A_942 = tpu.matmul %slice3A_932, %get3A_940, %dot_general3A_941 {dimension_numbers = #tpu.dot_dimension_numbers<[1], [0], [0], [1], [0, 0, 1, 1], [], []>, precision = #tpu.contract_precision<fp32>, transpose_lhs_hint = false} : vector<400x32xf32>, vector<32x480xf32>, vector<400x480xf32> -> vector<400x480xf32>
    %mul3A_943 = arith.mulf %dot_general3A_937, %dot_general3A_942 : vector<400x480xf32>
    %add3A_944 = arith.addf %add3A_894, %mul3A_943 : vector<400x480xf32>
    %get3A_945 = arith.constant 19 : index
    %get3A_946 = arith.constant 0 : index
    %get3A_947 = arith.constant 0 : index
    %get3A_948 = vector.load %arg1[%get3A_945, %get3A_946, %get3A_947] : memref<32x400x48xf32, #tpu.memory_space<vmem>>, vector<1x400x48xf32>
    %get3A_949 = vector.shape_cast %get3A_948 : vector<1x400x48xf32> to vector<400x48xf32>
    %slice3A_950 = vector.extract_strided_slice %get3A_949 {offsets = [0, 32], sizes = [400, 8], strides = [1, 1]} : vector<400x48xf32> to vector<400x8xf32>
    %sub3A_951 = arith.subf %slice3A_950, %get3A_1 : vector<400x8xf32>
    %mul3A_952 = arith.mulf %sub3A_951, %sub3A_951 : vector<400x8xf32>
    %reduce_sum3A_953 = arith.constant dense<0.000000e+00> : vector<400xf32>
    %reduce_sum3A_954 = vector.multi_reduction <add>, %mul3A_952, %reduce_sum3A_953 [1] : vector<400x8xf32> to vector<400xf32>
    %broadcast_in_dim3A_955 = vector.shape_cast %reduce_sum3A_954 : vector<400xf32> to vector<400x1xf32>
    %sub3A_956 = arith.constant 1.000000e+00 : f32
    %sub3A_957 = vector.broadcast %sub3A_956 : f32 to vector<400x1xf32>
    %sub3A_958 = arith.subf %broadcast_in_dim3A_955, %sub3A_957 : vector<400x1xf32>
    %get3A_959 = arith.constant 0 : index
    %get3A_960 = arith.constant 0 : index
    %get3A_961 = vector.load %arg7[%get3A_959, %get3A_960] : memref<8x16xf32, #tpu.memory_space<vmem>>, vector<8x16xf32>
    %dot_general3A_962 = arith.constant dense<0.000000e+00> : vector<400x16xf32>
    %dot_general3A_963 = tpu.matmul %sub3A_951, %get3A_961, %dot_general3A_962 {dimension_numbers = #tpu.dot_dimension_numbers<[1], [0], [0], [1], [0, 0, 1, 1], [], []>, precision = #tpu.contract_precision<fp32>, transpose_lhs_hint = false} : vector<400x8xf32>, vector<8x16xf32>, vector<400x16xf32> -> vector<400x16xf32>
    %mul3A_964 = arith.constant 2.000000e+00 : f32
    %mul3A_965 = vector.broadcast %mul3A_964 : f32 to vector<400x16xf32>
    %mul3A_966 = arith.mulf %mul3A_965, %dot_general3A_963 : vector<400x16xf32>
    %sub3A_967 = vector.broadcast %sub3A_958 : vector<400x1xf32> to vector<400x16xf32>
    %sub3A_968 = arith.subf %sub3A_967, %mul3A_966 : vector<400x16xf32>
    %max3A_969 = arith.constant 0.000000e+00 : f32
    %max3A_970 = vector.broadcast %max3A_969 : f32 to vector<400x16xf32>
    %max3A_971 = arith.maximumf %sub3A_968, %max3A_970 : vector<400x16xf32>
    %add3A_972 = arith.constant 9.99999996E-13 : f32
    %add3A_973 = vector.broadcast %add3A_972 : f32 to vector<400x16xf32>
    %add3A_974 = arith.addf %max3A_971, %add3A_973 : vector<400x16xf32>
    %sqrt3A_975 = math.sqrt %add3A_974 : vector<400x16xf32>
    %sub3A_976 = arith.constant 1.000000e+00 : f32
    %sub3A_977 = vector.broadcast %sub3A_976 : f32 to vector<400x16xf32>
    %sub3A_978 = arith.subf %sub3A_977, %sqrt3A_975 : vector<400x16xf32>
    %max3A_979 = arith.constant 0.000000e+00 : f32
    %max3A_980 = vector.broadcast %max3A_979 : f32 to vector<400x16xf32>
    %max3A_981 = arith.maximumf %sub3A_978, %max3A_980 : vector<400x16xf32>
    %slice3A_982 = vector.extract_strided_slice %get3A_949 {offsets = [0, 0], sizes = [400, 32], strides = [1, 1]} : vector<400x48xf32> to vector<400x32xf32>
    %get3A_983 = arith.constant 0 : index
    %get3A_984 = arith.constant 0 : index
    %get3A_985 = vector.load %arg8[%get3A_983, %get3A_984] : memref<16x480xf32, #tpu.memory_space<vmem>>, vector<16x480xf32>
    %dot_general3A_986 = arith.constant dense<0.000000e+00> : vector<400x480xf32>
    %dot_general3A_987 = tpu.matmul %max3A_981, %get3A_985, %dot_general3A_986 {dimension_numbers = #tpu.dot_dimension_numbers<[1], [0], [0], [1], [0, 0, 1, 1], [], []>, precision = #tpu.contract_precision<fp32>, transpose_lhs_hint = false} : vector<400x16xf32>, vector<16x480xf32>, vector<400x480xf32> -> vector<400x480xf32>
    %get3A_988 = arith.constant 0 : index
    %get3A_989 = arith.constant 0 : index
    %get3A_990 = vector.load %arg9[%get3A_988, %get3A_989] : memref<32x480xf32, #tpu.memory_space<vmem>>, vector<32x480xf32>
    %dot_general3A_991 = arith.constant dense<0.000000e+00> : vector<400x480xf32>
    %dot_general3A_992 = tpu.matmul %slice3A_982, %get3A_990, %dot_general3A_991 {dimension_numbers = #tpu.dot_dimension_numbers<[1], [0], [0], [1], [0, 0, 1, 1], [], []>, precision = #tpu.contract_precision<fp32>, transpose_lhs_hint = false} : vector<400x32xf32>, vector<32x480xf32>, vector<400x480xf32> -> vector<400x480xf32>
    %mul3A_993 = arith.mulf %dot_general3A_987, %dot_general3A_992 : vector<400x480xf32>
    %add3A_994 = arith.addf %add3A_944, %mul3A_993 : vector<400x480xf32>
    %get3A_995 = arith.constant 20 : index
    %get3A_996 = arith.constant 0 : index
    %get3A_997 = arith.constant 0 : index
    %get3A_998 = vector.load %arg1[%get3A_995, %get3A_996, %get3A_997] : memref<32x400x48xf32, #tpu.memory_space<vmem>>, vector<1x400x48xf32>
    %get3A_999 = vector.shape_cast %get3A_998 : vector<1x400x48xf32> to vector<400x48xf32>
    %slice3A_1000 = vector.extract_strided_slice %get3A_999 {offsets = [0, 32], sizes = [400, 8], strides = [1, 1]} : vector<400x48xf32> to vector<400x8xf32>
    %sub3A_1001 = arith.subf %slice3A_1000, %get3A_1 : vector<400x8xf32>
    %mul3A_1002 = arith.mulf %sub3A_1001, %sub3A_1001 : vector<400x8xf32>
    %reduce_sum3A_1003 = arith.constant dense<0.000000e+00> : vector<400xf32>
    %reduce_sum3A_1004 = vector.multi_reduction <add>, %mul3A_1002, %reduce_sum3A_1003 [1] : vector<400x8xf32> to vector<400xf32>
    %broadcast_in_dim3A_1005 = vector.shape_cast %reduce_sum3A_1004 : vector<400xf32> to vector<400x1xf32>
    %sub3A_1006 = arith.constant 1.000000e+00 : f32
    %sub3A_1007 = vector.broadcast %sub3A_1006 : f32 to vector<400x1xf32>
    %sub3A_1008 = arith.subf %broadcast_in_dim3A_1005, %sub3A_1007 : vector<400x1xf32>
    %get3A_1009 = arith.constant 0 : index
    %get3A_1010 = arith.constant 0 : index
    %get3A_1011 = vector.load %arg7[%get3A_1009, %get3A_1010] : memref<8x16xf32, #tpu.memory_space<vmem>>, vector<8x16xf32>
    %dot_general3A_1012 = arith.constant dense<0.000000e+00> : vector<400x16xf32>
    %dot_general3A_1013 = tpu.matmul %sub3A_1001, %get3A_1011, %dot_general3A_1012 {dimension_numbers = #tpu.dot_dimension_numbers<[1], [0], [0], [1], [0, 0, 1, 1], [], []>, precision = #tpu.contract_precision<fp32>, transpose_lhs_hint = false} : vector<400x8xf32>, vector<8x16xf32>, vector<400x16xf32> -> vector<400x16xf32>
    %mul3A_1014 = arith.constant 2.000000e+00 : f32
    %mul3A_1015 = vector.broadcast %mul3A_1014 : f32 to vector<400x16xf32>
    %mul3A_1016 = arith.mulf %mul3A_1015, %dot_general3A_1013 : vector<400x16xf32>
    %sub3A_1017 = vector.broadcast %sub3A_1008 : vector<400x1xf32> to vector<400x16xf32>
    %sub3A_1018 = arith.subf %sub3A_1017, %mul3A_1016 : vector<400x16xf32>
    %max3A_1019 = arith.constant 0.000000e+00 : f32
    %max3A_1020 = vector.broadcast %max3A_1019 : f32 to vector<400x16xf32>
    %max3A_1021 = arith.maximumf %sub3A_1018, %max3A_1020 : vector<400x16xf32>
    %add3A_1022 = arith.constant 9.99999996E-13 : f32
    %add3A_1023 = vector.broadcast %add3A_1022 : f32 to vector<400x16xf32>
    %add3A_1024 = arith.addf %max3A_1021, %add3A_1023 : vector<400x16xf32>
    %sqrt3A_1025 = math.sqrt %add3A_1024 : vector<400x16xf32>
    %sub3A_1026 = arith.constant 1.000000e+00 : f32
    %sub3A_1027 = vector.broadcast %sub3A_1026 : f32 to vector<400x16xf32>
    %sub3A_1028 = arith.subf %sub3A_1027, %sqrt3A_1025 : vector<400x16xf32>
    %max3A_1029 = arith.constant 0.000000e+00 : f32
    %max3A_1030 = vector.broadcast %max3A_1029 : f32 to vector<400x16xf32>
    %max3A_1031 = arith.maximumf %sub3A_1028, %max3A_1030 : vector<400x16xf32>
    %slice3A_1032 = vector.extract_strided_slice %get3A_999 {offsets = [0, 0], sizes = [400, 32], strides = [1, 1]} : vector<400x48xf32> to vector<400x32xf32>
    %get3A_1033 = arith.constant 0 : index
    %get3A_1034 = arith.constant 0 : index
    %get3A_1035 = vector.load %arg8[%get3A_1033, %get3A_1034] : memref<16x480xf32, #tpu.memory_space<vmem>>, vector<16x480xf32>
    %dot_general3A_1036 = arith.constant dense<0.000000e+00> : vector<400x480xf32>
    %dot_general3A_1037 = tpu.matmul %max3A_1031, %get3A_1035, %dot_general3A_1036 {dimension_numbers = #tpu.dot_dimension_numbers<[1], [0], [0], [1], [0, 0, 1, 1], [], []>, precision = #tpu.contract_precision<fp32>, transpose_lhs_hint = false} : vector<400x16xf32>, vector<16x480xf32>, vector<400x480xf32> -> vector<400x480xf32>
    %get3A_1038 = arith.constant 0 : index
    %get3A_1039 = arith.constant 0 : index
    %get3A_1040 = vector.load %arg9[%get3A_1038, %get3A_1039] : memref<32x480xf32, #tpu.memory_space<vmem>>, vector<32x480xf32>
    %dot_general3A_1041 = arith.constant dense<0.000000e+00> : vector<400x480xf32>
    %dot_general3A_1042 = tpu.matmul %slice3A_1032, %get3A_1040, %dot_general3A_1041 {dimension_numbers = #tpu.dot_dimension_numbers<[1], [0], [0], [1], [0, 0, 1, 1], [], []>, precision = #tpu.contract_precision<fp32>, transpose_lhs_hint = false} : vector<400x32xf32>, vector<32x480xf32>, vector<400x480xf32> -> vector<400x480xf32>
    %mul3A_1043 = arith.mulf %dot_general3A_1037, %dot_general3A_1042 : vector<400x480xf32>
    %add3A_1044 = arith.addf %add3A_994, %mul3A_1043 : vector<400x480xf32>
    %get3A_1045 = arith.constant 21 : index
    %get3A_1046 = arith.constant 0 : index
    %get3A_1047 = arith.constant 0 : index
    %get3A_1048 = vector.load %arg1[%get3A_1045, %get3A_1046, %get3A_1047] : memref<32x400x48xf32, #tpu.memory_space<vmem>>, vector<1x400x48xf32>
    %get3A_1049 = vector.shape_cast %get3A_1048 : vector<1x400x48xf32> to vector<400x48xf32>
    %slice3A_1050 = vector.extract_strided_slice %get3A_1049 {offsets = [0, 32], sizes = [400, 8], strides = [1, 1]} : vector<400x48xf32> to vector<400x8xf32>
    %sub3A_1051 = arith.subf %slice3A_1050, %get3A_1 : vector<400x8xf32>
    %mul3A_1052 = arith.mulf %sub3A_1051, %sub3A_1051 : vector<400x8xf32>
    %reduce_sum3A_1053 = arith.constant dense<0.000000e+00> : vector<400xf32>
    %reduce_sum3A_1054 = vector.multi_reduction <add>, %mul3A_1052, %reduce_sum3A_1053 [1] : vector<400x8xf32> to vector<400xf32>
    %broadcast_in_dim3A_1055 = vector.shape_cast %reduce_sum3A_1054 : vector<400xf32> to vector<400x1xf32>
    %sub3A_1056 = arith.constant 1.000000e+00 : f32
    %sub3A_1057 = vector.broadcast %sub3A_1056 : f32 to vector<400x1xf32>
    %sub3A_1058 = arith.subf %broadcast_in_dim3A_1055, %sub3A_1057 : vector<400x1xf32>
    %get3A_1059 = arith.constant 0 : index
    %get3A_1060 = arith.constant 0 : index
    %get3A_1061 = vector.load %arg7[%get3A_1059, %get3A_1060] : memref<8x16xf32, #tpu.memory_space<vmem>>, vector<8x16xf32>
    %dot_general3A_1062 = arith.constant dense<0.000000e+00> : vector<400x16xf32>
    %dot_general3A_1063 = tpu.matmul %sub3A_1051, %get3A_1061, %dot_general3A_1062 {dimension_numbers = #tpu.dot_dimension_numbers<[1], [0], [0], [1], [0, 0, 1, 1], [], []>, precision = #tpu.contract_precision<fp32>, transpose_lhs_hint = false} : vector<400x8xf32>, vector<8x16xf32>, vector<400x16xf32> -> vector<400x16xf32>
    %mul3A_1064 = arith.constant 2.000000e+00 : f32
    %mul3A_1065 = vector.broadcast %mul3A_1064 : f32 to vector<400x16xf32>
    %mul3A_1066 = arith.mulf %mul3A_1065, %dot_general3A_1063 : vector<400x16xf32>
    %sub3A_1067 = vector.broadcast %sub3A_1058 : vector<400x1xf32> to vector<400x16xf32>
    %sub3A_1068 = arith.subf %sub3A_1067, %mul3A_1066 : vector<400x16xf32>
    %max3A_1069 = arith.constant 0.000000e+00 : f32
    %max3A_1070 = vector.broadcast %max3A_1069 : f32 to vector<400x16xf32>
    %max3A_1071 = arith.maximumf %sub3A_1068, %max3A_1070 : vector<400x16xf32>
    %add3A_1072 = arith.constant 9.99999996E-13 : f32
    %add3A_1073 = vector.broadcast %add3A_1072 : f32 to vector<400x16xf32>
    %add3A_1074 = arith.addf %max3A_1071, %add3A_1073 : vector<400x16xf32>
    %sqrt3A_1075 = math.sqrt %add3A_1074 : vector<400x16xf32>
    %sub3A_1076 = arith.constant 1.000000e+00 : f32
    %sub3A_1077 = vector.broadcast %sub3A_1076 : f32 to vector<400x16xf32>
    %sub3A_1078 = arith.subf %sub3A_1077, %sqrt3A_1075 : vector<400x16xf32>
    %max3A_1079 = arith.constant 0.000000e+00 : f32
    %max3A_1080 = vector.broadcast %max3A_1079 : f32 to vector<400x16xf32>
    %max3A_1081 = arith.maximumf %sub3A_1078, %max3A_1080 : vector<400x16xf32>
    %slice3A_1082 = vector.extract_strided_slice %get3A_1049 {offsets = [0, 0], sizes = [400, 32], strides = [1, 1]} : vector<400x48xf32> to vector<400x32xf32>
    %get3A_1083 = arith.constant 0 : index
    %get3A_1084 = arith.constant 0 : index
    %get3A_1085 = vector.load %arg8[%get3A_1083, %get3A_1084] : memref<16x480xf32, #tpu.memory_space<vmem>>, vector<16x480xf32>
    %dot_general3A_1086 = arith.constant dense<0.000000e+00> : vector<400x480xf32>
    %dot_general3A_1087 = tpu.matmul %max3A_1081, %get3A_1085, %dot_general3A_1086 {dimension_numbers = #tpu.dot_dimension_numbers<[1], [0], [0], [1], [0, 0, 1, 1], [], []>, precision = #tpu.contract_precision<fp32>, transpose_lhs_hint = false} : vector<400x16xf32>, vector<16x480xf32>, vector<400x480xf32> -> vector<400x480xf32>
    %get3A_1088 = arith.constant 0 : index
    %get3A_1089 = arith.constant 0 : index
    %get3A_1090 = vector.load %arg9[%get3A_1088, %get3A_1089] : memref<32x480xf32, #tpu.memory_space<vmem>>, vector<32x480xf32>
    %dot_general3A_1091 = arith.constant dense<0.000000e+00> : vector<400x480xf32>
    %dot_general3A_1092 = tpu.matmul %slice3A_1082, %get3A_1090, %dot_general3A_1091 {dimension_numbers = #tpu.dot_dimension_numbers<[1], [0], [0], [1], [0, 0, 1, 1], [], []>, precision = #tpu.contract_precision<fp32>, transpose_lhs_hint = false} : vector<400x32xf32>, vector<32x480xf32>, vector<400x480xf32> -> vector<400x480xf32>
    %mul3A_1093 = arith.mulf %dot_general3A_1087, %dot_general3A_1092 : vector<400x480xf32>
    %add3A_1094 = arith.addf %add3A_1044, %mul3A_1093 : vector<400x480xf32>
    %get3A_1095 = arith.constant 22 : index
    %get3A_1096 = arith.constant 0 : index
    %get3A_1097 = arith.constant 0 : index
    %get3A_1098 = vector.load %arg1[%get3A_1095, %get3A_1096, %get3A_1097] : memref<32x400x48xf32, #tpu.memory_space<vmem>>, vector<1x400x48xf32>
    %get3A_1099 = vector.shape_cast %get3A_1098 : vector<1x400x48xf32> to vector<400x48xf32>
    %slice3A_1100 = vector.extract_strided_slice %get3A_1099 {offsets = [0, 32], sizes = [400, 8], strides = [1, 1]} : vector<400x48xf32> to vector<400x8xf32>
    %sub3A_1101 = arith.subf %slice3A_1100, %get3A_1 : vector<400x8xf32>
    %mul3A_1102 = arith.mulf %sub3A_1101, %sub3A_1101 : vector<400x8xf32>
    %reduce_sum3A_1103 = arith.constant dense<0.000000e+00> : vector<400xf32>
    %reduce_sum3A_1104 = vector.multi_reduction <add>, %mul3A_1102, %reduce_sum3A_1103 [1] : vector<400x8xf32> to vector<400xf32>
    %broadcast_in_dim3A_1105 = vector.shape_cast %reduce_sum3A_1104 : vector<400xf32> to vector<400x1xf32>
    %sub3A_1106 = arith.constant 1.000000e+00 : f32
    %sub3A_1107 = vector.broadcast %sub3A_1106 : f32 to vector<400x1xf32>
    %sub3A_1108 = arith.subf %broadcast_in_dim3A_1105, %sub3A_1107 : vector<400x1xf32>
    %get3A_1109 = arith.constant 0 : index
    %get3A_1110 = arith.constant 0 : index
    %get3A_1111 = vector.load %arg7[%get3A_1109, %get3A_1110] : memref<8x16xf32, #tpu.memory_space<vmem>>, vector<8x16xf32>
    %dot_general3A_1112 = arith.constant dense<0.000000e+00> : vector<400x16xf32>
    %dot_general3A_1113 = tpu.matmul %sub3A_1101, %get3A_1111, %dot_general3A_1112 {dimension_numbers = #tpu.dot_dimension_numbers<[1], [0], [0], [1], [0, 0, 1, 1], [], []>, precision = #tpu.contract_precision<fp32>, transpose_lhs_hint = false} : vector<400x8xf32>, vector<8x16xf32>, vector<400x16xf32> -> vector<400x16xf32>
    %mul3A_1114 = arith.constant 2.000000e+00 : f32
    %mul3A_1115 = vector.broadcast %mul3A_1114 : f32 to vector<400x16xf32>
    %mul3A_1116 = arith.mulf %mul3A_1115, %dot_general3A_1113 : vector<400x16xf32>
    %sub3A_1117 = vector.broadcast %sub3A_1108 : vector<400x1xf32> to vector<400x16xf32>
    %sub3A_1118 = arith.subf %sub3A_1117, %mul3A_1116 : vector<400x16xf32>
    %max3A_1119 = arith.constant 0.000000e+00 : f32
    %max3A_1120 = vector.broadcast %max3A_1119 : f32 to vector<400x16xf32>
    %max3A_1121 = arith.maximumf %sub3A_1118, %max3A_1120 : vector<400x16xf32>
    %add3A_1122 = arith.constant 9.99999996E-13 : f32
    %add3A_1123 = vector.broadcast %add3A_1122 : f32 to vector<400x16xf32>
    %add3A_1124 = arith.addf %max3A_1121, %add3A_1123 : vector<400x16xf32>
    %sqrt3A_1125 = math.sqrt %add3A_1124 : vector<400x16xf32>
    %sub3A_1126 = arith.constant 1.000000e+00 : f32
    %sub3A_1127 = vector.broadcast %sub3A_1126 : f32 to vector<400x16xf32>
    %sub3A_1128 = arith.subf %sub3A_1127, %sqrt3A_1125 : vector<400x16xf32>
    %max3A_1129 = arith.constant 0.000000e+00 : f32
    %max3A_1130 = vector.broadcast %max3A_1129 : f32 to vector<400x16xf32>
    %max3A_1131 = arith.maximumf %sub3A_1128, %max3A_1130 : vector<400x16xf32>
    %slice3A_1132 = vector.extract_strided_slice %get3A_1099 {offsets = [0, 0], sizes = [400, 32], strides = [1, 1]} : vector<400x48xf32> to vector<400x32xf32>
    %get3A_1133 = arith.constant 0 : index
    %get3A_1134 = arith.constant 0 : index
    %get3A_1135 = vector.load %arg8[%get3A_1133, %get3A_1134] : memref<16x480xf32, #tpu.memory_space<vmem>>, vector<16x480xf32>
    %dot_general3A_1136 = arith.constant dense<0.000000e+00> : vector<400x480xf32>
    %dot_general3A_1137 = tpu.matmul %max3A_1131, %get3A_1135, %dot_general3A_1136 {dimension_numbers = #tpu.dot_dimension_numbers<[1], [0], [0], [1], [0, 0, 1, 1], [], []>, precision = #tpu.contract_precision<fp32>, transpose_lhs_hint = false} : vector<400x16xf32>, vector<16x480xf32>, vector<400x480xf32> -> vector<400x480xf32>
    %get3A_1138 = arith.constant 0 : index
    %get3A_1139 = arith.constant 0 : index
    %get3A_1140 = vector.load %arg9[%get3A_1138, %get3A_1139] : memref<32x480xf32, #tpu.memory_space<vmem>>, vector<32x480xf32>
    %dot_general3A_1141 = arith.constant dense<0.000000e+00> : vector<400x480xf32>
    %dot_general3A_1142 = tpu.matmul %slice3A_1132, %get3A_1140, %dot_general3A_1141 {dimension_numbers = #tpu.dot_dimension_numbers<[1], [0], [0], [1], [0, 0, 1, 1], [], []>, precision = #tpu.contract_precision<fp32>, transpose_lhs_hint = false} : vector<400x32xf32>, vector<32x480xf32>, vector<400x480xf32> -> vector<400x480xf32>
    %mul3A_1143 = arith.mulf %dot_general3A_1137, %dot_general3A_1142 : vector<400x480xf32>
    %add3A_1144 = arith.addf %add3A_1094, %mul3A_1143 : vector<400x480xf32>
    %get3A_1145 = arith.constant 23 : index
    %get3A_1146 = arith.constant 0 : index
    %get3A_1147 = arith.constant 0 : index
    %get3A_1148 = vector.load %arg1[%get3A_1145, %get3A_1146, %get3A_1147] : memref<32x400x48xf32, #tpu.memory_space<vmem>>, vector<1x400x48xf32>
    %get3A_1149 = vector.shape_cast %get3A_1148 : vector<1x400x48xf32> to vector<400x48xf32>
    %slice3A_1150 = vector.extract_strided_slice %get3A_1149 {offsets = [0, 32], sizes = [400, 8], strides = [1, 1]} : vector<400x48xf32> to vector<400x8xf32>
    %sub3A_1151 = arith.subf %slice3A_1150, %get3A_1 : vector<400x8xf32>
    %mul3A_1152 = arith.mulf %sub3A_1151, %sub3A_1151 : vector<400x8xf32>
    %reduce_sum3A_1153 = arith.constant dense<0.000000e+00> : vector<400xf32>
    %reduce_sum3A_1154 = vector.multi_reduction <add>, %mul3A_1152, %reduce_sum3A_1153 [1] : vector<400x8xf32> to vector<400xf32>
    %broadcast_in_dim3A_1155 = vector.shape_cast %reduce_sum3A_1154 : vector<400xf32> to vector<400x1xf32>
    %sub3A_1156 = arith.constant 1.000000e+00 : f32
    %sub3A_1157 = vector.broadcast %sub3A_1156 : f32 to vector<400x1xf32>
    %sub3A_1158 = arith.subf %broadcast_in_dim3A_1155, %sub3A_1157 : vector<400x1xf32>
    %get3A_1159 = arith.constant 0 : index
    %get3A_1160 = arith.constant 0 : index
    %get3A_1161 = vector.load %arg7[%get3A_1159, %get3A_1160] : memref<8x16xf32, #tpu.memory_space<vmem>>, vector<8x16xf32>
    %dot_general3A_1162 = arith.constant dense<0.000000e+00> : vector<400x16xf32>
    %dot_general3A_1163 = tpu.matmul %sub3A_1151, %get3A_1161, %dot_general3A_1162 {dimension_numbers = #tpu.dot_dimension_numbers<[1], [0], [0], [1], [0, 0, 1, 1], [], []>, precision = #tpu.contract_precision<fp32>, transpose_lhs_hint = false} : vector<400x8xf32>, vector<8x16xf32>, vector<400x16xf32> -> vector<400x16xf32>
    %mul3A_1164 = arith.constant 2.000000e+00 : f32
    %mul3A_1165 = vector.broadcast %mul3A_1164 : f32 to vector<400x16xf32>
    %mul3A_1166 = arith.mulf %mul3A_1165, %dot_general3A_1163 : vector<400x16xf32>
    %sub3A_1167 = vector.broadcast %sub3A_1158 : vector<400x1xf32> to vector<400x16xf32>
    %sub3A_1168 = arith.subf %sub3A_1167, %mul3A_1166 : vector<400x16xf32>
    %max3A_1169 = arith.constant 0.000000e+00 : f32
    %max3A_1170 = vector.broadcast %max3A_1169 : f32 to vector<400x16xf32>
    %max3A_1171 = arith.maximumf %sub3A_1168, %max3A_1170 : vector<400x16xf32>
    %add3A_1172 = arith.constant 9.99999996E-13 : f32
    %add3A_1173 = vector.broadcast %add3A_1172 : f32 to vector<400x16xf32>
    %add3A_1174 = arith.addf %max3A_1171, %add3A_1173 : vector<400x16xf32>
    %sqrt3A_1175 = math.sqrt %add3A_1174 : vector<400x16xf32>
    %sub3A_1176 = arith.constant 1.000000e+00 : f32
    %sub3A_1177 = vector.broadcast %sub3A_1176 : f32 to vector<400x16xf32>
    %sub3A_1178 = arith.subf %sub3A_1177, %sqrt3A_1175 : vector<400x16xf32>
    %max3A_1179 = arith.constant 0.000000e+00 : f32
    %max3A_1180 = vector.broadcast %max3A_1179 : f32 to vector<400x16xf32>
    %max3A_1181 = arith.maximumf %sub3A_1178, %max3A_1180 : vector<400x16xf32>
    %slice3A_1182 = vector.extract_strided_slice %get3A_1149 {offsets = [0, 0], sizes = [400, 32], strides = [1, 1]} : vector<400x48xf32> to vector<400x32xf32>
    %get3A_1183 = arith.constant 0 : index
    %get3A_1184 = arith.constant 0 : index
    %get3A_1185 = vector.load %arg8[%get3A_1183, %get3A_1184] : memref<16x480xf32, #tpu.memory_space<vmem>>, vector<16x480xf32>
    %dot_general3A_1186 = arith.constant dense<0.000000e+00> : vector<400x480xf32>
    %dot_general3A_1187 = tpu.matmul %max3A_1181, %get3A_1185, %dot_general3A_1186 {dimension_numbers = #tpu.dot_dimension_numbers<[1], [0], [0], [1], [0, 0, 1, 1], [], []>, precision = #tpu.contract_precision<fp32>, transpose_lhs_hint = false} : vector<400x16xf32>, vector<16x480xf32>, vector<400x480xf32> -> vector<400x480xf32>
    %get3A_1188 = arith.constant 0 : index
    %get3A_1189 = arith.constant 0 : index
    %get3A_1190 = vector.load %arg9[%get3A_1188, %get3A_1189] : memref<32x480xf32, #tpu.memory_space<vmem>>, vector<32x480xf32>
    %dot_general3A_1191 = arith.constant dense<0.000000e+00> : vector<400x480xf32>
    %dot_general3A_1192 = tpu.matmul %slice3A_1182, %get3A_1190, %dot_general3A_1191 {dimension_numbers = #tpu.dot_dimension_numbers<[1], [0], [0], [1], [0, 0, 1, 1], [], []>, precision = #tpu.contract_precision<fp32>, transpose_lhs_hint = false} : vector<400x32xf32>, vector<32x480xf32>, vector<400x480xf32> -> vector<400x480xf32>
    %mul3A_1193 = arith.mulf %dot_general3A_1187, %dot_general3A_1192 : vector<400x480xf32>
    %add3A_1194 = arith.addf %add3A_1144, %mul3A_1193 : vector<400x480xf32>
    %get3A_1195 = arith.constant 24 : index
    %get3A_1196 = arith.constant 0 : index
    %get3A_1197 = arith.constant 0 : index
    %get3A_1198 = vector.load %arg1[%get3A_1195, %get3A_1196, %get3A_1197] : memref<32x400x48xf32, #tpu.memory_space<vmem>>, vector<1x400x48xf32>
    %get3A_1199 = vector.shape_cast %get3A_1198 : vector<1x400x48xf32> to vector<400x48xf32>
    %slice3A_1200 = vector.extract_strided_slice %get3A_1199 {offsets = [0, 32], sizes = [400, 8], strides = [1, 1]} : vector<400x48xf32> to vector<400x8xf32>
    %sub3A_1201 = arith.subf %slice3A_1200, %get3A_1 : vector<400x8xf32>
    %mul3A_1202 = arith.mulf %sub3A_1201, %sub3A_1201 : vector<400x8xf32>
    %reduce_sum3A_1203 = arith.constant dense<0.000000e+00> : vector<400xf32>
    %reduce_sum3A_1204 = vector.multi_reduction <add>, %mul3A_1202, %reduce_sum3A_1203 [1] : vector<400x8xf32> to vector<400xf32>
    %broadcast_in_dim3A_1205 = vector.shape_cast %reduce_sum3A_1204 : vector<400xf32> to vector<400x1xf32>
    %sub3A_1206 = arith.constant 1.000000e+00 : f32
    %sub3A_1207 = vector.broadcast %sub3A_1206 : f32 to vector<400x1xf32>
    %sub3A_1208 = arith.subf %broadcast_in_dim3A_1205, %sub3A_1207 : vector<400x1xf32>
    %get3A_1209 = arith.constant 0 : index
    %get3A_1210 = arith.constant 0 : index
    %get3A_1211 = vector.load %arg7[%get3A_1209, %get3A_1210] : memref<8x16xf32, #tpu.memory_space<vmem>>, vector<8x16xf32>
    %dot_general3A_1212 = arith.constant dense<0.000000e+00> : vector<400x16xf32>
    %dot_general3A_1213 = tpu.matmul %sub3A_1201, %get3A_1211, %dot_general3A_1212 {dimension_numbers = #tpu.dot_dimension_numbers<[1], [0], [0], [1], [0, 0, 1, 1], [], []>, precision = #tpu.contract_precision<fp32>, transpose_lhs_hint = false} : vector<400x8xf32>, vector<8x16xf32>, vector<400x16xf32> -> vector<400x16xf32>
    %mul3A_1214 = arith.constant 2.000000e+00 : f32
    %mul3A_1215 = vector.broadcast %mul3A_1214 : f32 to vector<400x16xf32>
    %mul3A_1216 = arith.mulf %mul3A_1215, %dot_general3A_1213 : vector<400x16xf32>
    %sub3A_1217 = vector.broadcast %sub3A_1208 : vector<400x1xf32> to vector<400x16xf32>
    %sub3A_1218 = arith.subf %sub3A_1217, %mul3A_1216 : vector<400x16xf32>
    %max3A_1219 = arith.constant 0.000000e+00 : f32
    %max3A_1220 = vector.broadcast %max3A_1219 : f32 to vector<400x16xf32>
    %max3A_1221 = arith.maximumf %sub3A_1218, %max3A_1220 : vector<400x16xf32>
    %add3A_1222 = arith.constant 9.99999996E-13 : f32
    %add3A_1223 = vector.broadcast %add3A_1222 : f32 to vector<400x16xf32>
    %add3A_1224 = arith.addf %max3A_1221, %add3A_1223 : vector<400x16xf32>
    %sqrt3A_1225 = math.sqrt %add3A_1224 : vector<400x16xf32>
    %sub3A_1226 = arith.constant 1.000000e+00 : f32
    %sub3A_1227 = vector.broadcast %sub3A_1226 : f32 to vector<400x16xf32>
    %sub3A_1228 = arith.subf %sub3A_1227, %sqrt3A_1225 : vector<400x16xf32>
    %max3A_1229 = arith.constant 0.000000e+00 : f32
    %max3A_1230 = vector.broadcast %max3A_1229 : f32 to vector<400x16xf32>
    %max3A_1231 = arith.maximumf %sub3A_1228, %max3A_1230 : vector<400x16xf32>
    %slice3A_1232 = vector.extract_strided_slice %get3A_1199 {offsets = [0, 0], sizes = [400, 32], strides = [1, 1]} : vector<400x48xf32> to vector<400x32xf32>
    %get3A_1233 = arith.constant 0 : index
    %get3A_1234 = arith.constant 0 : index
    %get3A_1235 = vector.load %arg8[%get3A_1233, %get3A_1234] : memref<16x480xf32, #tpu.memory_space<vmem>>, vector<16x480xf32>
    %dot_general3A_1236 = arith.constant dense<0.000000e+00> : vector<400x480xf32>
    %dot_general3A_1237 = tpu.matmul %max3A_1231, %get3A_1235, %dot_general3A_1236 {dimension_numbers = #tpu.dot_dimension_numbers<[1], [0], [0], [1], [0, 0, 1, 1], [], []>, precision = #tpu.contract_precision<fp32>, transpose_lhs_hint = false} : vector<400x16xf32>, vector<16x480xf32>, vector<400x480xf32> -> vector<400x480xf32>
    %get3A_1238 = arith.constant 0 : index
    %get3A_1239 = arith.constant 0 : index
    %get3A_1240 = vector.load %arg9[%get3A_1238, %get3A_1239] : memref<32x480xf32, #tpu.memory_space<vmem>>, vector<32x480xf32>
    %dot_general3A_1241 = arith.constant dense<0.000000e+00> : vector<400x480xf32>
    %dot_general3A_1242 = tpu.matmul %slice3A_1232, %get3A_1240, %dot_general3A_1241 {dimension_numbers = #tpu.dot_dimension_numbers<[1], [0], [0], [1], [0, 0, 1, 1], [], []>, precision = #tpu.contract_precision<fp32>, transpose_lhs_hint = false} : vector<400x32xf32>, vector<32x480xf32>, vector<400x480xf32> -> vector<400x480xf32>
    %mul3A_1243 = arith.mulf %dot_general3A_1237, %dot_general3A_1242 : vector<400x480xf32>
    %add3A_1244 = arith.addf %add3A_1194, %mul3A_1243 : vector<400x480xf32>
    %get3A_1245 = arith.constant 25 : index
    %get3A_1246 = arith.constant 0 : index
    %get3A_1247 = arith.constant 0 : index
    %get3A_1248 = vector.load %arg1[%get3A_1245, %get3A_1246, %get3A_1247] : memref<32x400x48xf32, #tpu.memory_space<vmem>>, vector<1x400x48xf32>
    %get3A_1249 = vector.shape_cast %get3A_1248 : vector<1x400x48xf32> to vector<400x48xf32>
    %slice3A_1250 = vector.extract_strided_slice %get3A_1249 {offsets = [0, 32], sizes = [400, 8], strides = [1, 1]} : vector<400x48xf32> to vector<400x8xf32>
    %sub3A_1251 = arith.subf %slice3A_1250, %get3A_1 : vector<400x8xf32>
    %mul3A_1252 = arith.mulf %sub3A_1251, %sub3A_1251 : vector<400x8xf32>
    %reduce_sum3A_1253 = arith.constant dense<0.000000e+00> : vector<400xf32>
    %reduce_sum3A_1254 = vector.multi_reduction <add>, %mul3A_1252, %reduce_sum3A_1253 [1] : vector<400x8xf32> to vector<400xf32>
    %broadcast_in_dim3A_1255 = vector.shape_cast %reduce_sum3A_1254 : vector<400xf32> to vector<400x1xf32>
    %sub3A_1256 = arith.constant 1.000000e+00 : f32
    %sub3A_1257 = vector.broadcast %sub3A_1256 : f32 to vector<400x1xf32>
    %sub3A_1258 = arith.subf %broadcast_in_dim3A_1255, %sub3A_1257 : vector<400x1xf32>
    %get3A_1259 = arith.constant 0 : index
    %get3A_1260 = arith.constant 0 : index
    %get3A_1261 = vector.load %arg7[%get3A_1259, %get3A_1260] : memref<8x16xf32, #tpu.memory_space<vmem>>, vector<8x16xf32>
    %dot_general3A_1262 = arith.constant dense<0.000000e+00> : vector<400x16xf32>
    %dot_general3A_1263 = tpu.matmul %sub3A_1251, %get3A_1261, %dot_general3A_1262 {dimension_numbers = #tpu.dot_dimension_numbers<[1], [0], [0], [1], [0, 0, 1, 1], [], []>, precision = #tpu.contract_precision<fp32>, transpose_lhs_hint = false} : vector<400x8xf32>, vector<8x16xf32>, vector<400x16xf32> -> vector<400x16xf32>
    %mul3A_1264 = arith.constant 2.000000e+00 : f32
    %mul3A_1265 = vector.broadcast %mul3A_1264 : f32 to vector<400x16xf32>
    %mul3A_1266 = arith.mulf %mul3A_1265, %dot_general3A_1263 : vector<400x16xf32>
    %sub3A_1267 = vector.broadcast %sub3A_1258 : vector<400x1xf32> to vector<400x16xf32>
    %sub3A_1268 = arith.subf %sub3A_1267, %mul3A_1266 : vector<400x16xf32>
    %max3A_1269 = arith.constant 0.000000e+00 : f32
    %max3A_1270 = vector.broadcast %max3A_1269 : f32 to vector<400x16xf32>
    %max3A_1271 = arith.maximumf %sub3A_1268, %max3A_1270 : vector<400x16xf32>
    %add3A_1272 = arith.constant 9.99999996E-13 : f32
    %add3A_1273 = vector.broadcast %add3A_1272 : f32 to vector<400x16xf32>
    %add3A_1274 = arith.addf %max3A_1271, %add3A_1273 : vector<400x16xf32>
    %sqrt3A_1275 = math.sqrt %add3A_1274 : vector<400x16xf32>
    %sub3A_1276 = arith.constant 1.000000e+00 : f32
    %sub3A_1277 = vector.broadcast %sub3A_1276 : f32 to vector<400x16xf32>
    %sub3A_1278 = arith.subf %sub3A_1277, %sqrt3A_1275 : vector<400x16xf32>
    %max3A_1279 = arith.constant 0.000000e+00 : f32
    %max3A_1280 = vector.broadcast %max3A_1279 : f32 to vector<400x16xf32>
    %max3A_1281 = arith.maximumf %sub3A_1278, %max3A_1280 : vector<400x16xf32>
    %slice3A_1282 = vector.extract_strided_slice %get3A_1249 {offsets = [0, 0], sizes = [400, 32], strides = [1, 1]} : vector<400x48xf32> to vector<400x32xf32>
    %get3A_1283 = arith.constant 0 : index
    %get3A_1284 = arith.constant 0 : index
    %get3A_1285 = vector.load %arg8[%get3A_1283, %get3A_1284] : memref<16x480xf32, #tpu.memory_space<vmem>>, vector<16x480xf32>
    %dot_general3A_1286 = arith.constant dense<0.000000e+00> : vector<400x480xf32>
    %dot_general3A_1287 = tpu.matmul %max3A_1281, %get3A_1285, %dot_general3A_1286 {dimension_numbers = #tpu.dot_dimension_numbers<[1], [0], [0], [1], [0, 0, 1, 1], [], []>, precision = #tpu.contract_precision<fp32>, transpose_lhs_hint = false} : vector<400x16xf32>, vector<16x480xf32>, vector<400x480xf32> -> vector<400x480xf32>
    %get3A_1288 = arith.constant 0 : index
    %get3A_1289 = arith.constant 0 : index
    %get3A_1290 = vector.load %arg9[%get3A_1288, %get3A_1289] : memref<32x480xf32, #tpu.memory_space<vmem>>, vector<32x480xf32>
    %dot_general3A_1291 = arith.constant dense<0.000000e+00> : vector<400x480xf32>
    %dot_general3A_1292 = tpu.matmul %slice3A_1282, %get3A_1290, %dot_general3A_1291 {dimension_numbers = #tpu.dot_dimension_numbers<[1], [0], [0], [1], [0, 0, 1, 1], [], []>, precision = #tpu.contract_precision<fp32>, transpose_lhs_hint = false} : vector<400x32xf32>, vector<32x480xf32>, vector<400x480xf32> -> vector<400x480xf32>
    %mul3A_1293 = arith.mulf %dot_general3A_1287, %dot_general3A_1292 : vector<400x480xf32>
    %add3A_1294 = arith.addf %add3A_1244, %mul3A_1293 : vector<400x480xf32>
    %get3A_1295 = arith.constant 26 : index
    %get3A_1296 = arith.constant 0 : index
    %get3A_1297 = arith.constant 0 : index
    %get3A_1298 = vector.load %arg1[%get3A_1295, %get3A_1296, %get3A_1297] : memref<32x400x48xf32, #tpu.memory_space<vmem>>, vector<1x400x48xf32>
    %get3A_1299 = vector.shape_cast %get3A_1298 : vector<1x400x48xf32> to vector<400x48xf32>
    %slice3A_1300 = vector.extract_strided_slice %get3A_1299 {offsets = [0, 32], sizes = [400, 8], strides = [1, 1]} : vector<400x48xf32> to vector<400x8xf32>
    %sub3A_1301 = arith.subf %slice3A_1300, %get3A_1 : vector<400x8xf32>
    %mul3A_1302 = arith.mulf %sub3A_1301, %sub3A_1301 : vector<400x8xf32>
    %reduce_sum3A_1303 = arith.constant dense<0.000000e+00> : vector<400xf32>
    %reduce_sum3A_1304 = vector.multi_reduction <add>, %mul3A_1302, %reduce_sum3A_1303 [1] : vector<400x8xf32> to vector<400xf32>
    %broadcast_in_dim3A_1305 = vector.shape_cast %reduce_sum3A_1304 : vector<400xf32> to vector<400x1xf32>
    %sub3A_1306 = arith.constant 1.000000e+00 : f32
    %sub3A_1307 = vector.broadcast %sub3A_1306 : f32 to vector<400x1xf32>
    %sub3A_1308 = arith.subf %broadcast_in_dim3A_1305, %sub3A_1307 : vector<400x1xf32>
    %get3A_1309 = arith.constant 0 : index
    %get3A_1310 = arith.constant 0 : index
    %get3A_1311 = vector.load %arg7[%get3A_1309, %get3A_1310] : memref<8x16xf32, #tpu.memory_space<vmem>>, vector<8x16xf32>
    %dot_general3A_1312 = arith.constant dense<0.000000e+00> : vector<400x16xf32>
    %dot_general3A_1313 = tpu.matmul %sub3A_1301, %get3A_1311, %dot_general3A_1312 {dimension_numbers = #tpu.dot_dimension_numbers<[1], [0], [0], [1], [0, 0, 1, 1], [], []>, precision = #tpu.contract_precision<fp32>, transpose_lhs_hint = false} : vector<400x8xf32>, vector<8x16xf32>, vector<400x16xf32> -> vector<400x16xf32>
    %mul3A_1314 = arith.constant 2.000000e+00 : f32
    %mul3A_1315 = vector.broadcast %mul3A_1314 : f32 to vector<400x16xf32>
    %mul3A_1316 = arith.mulf %mul3A_1315, %dot_general3A_1313 : vector<400x16xf32>
    %sub3A_1317 = vector.broadcast %sub3A_1308 : vector<400x1xf32> to vector<400x16xf32>
    %sub3A_1318 = arith.subf %sub3A_1317, %mul3A_1316 : vector<400x16xf32>
    %max3A_1319 = arith.constant 0.000000e+00 : f32
    %max3A_1320 = vector.broadcast %max3A_1319 : f32 to vector<400x16xf32>
    %max3A_1321 = arith.maximumf %sub3A_1318, %max3A_1320 : vector<400x16xf32>
    %add3A_1322 = arith.constant 9.99999996E-13 : f32
    %add3A_1323 = vector.broadcast %add3A_1322 : f32 to vector<400x16xf32>
    %add3A_1324 = arith.addf %max3A_1321, %add3A_1323 : vector<400x16xf32>
    %sqrt3A_1325 = math.sqrt %add3A_1324 : vector<400x16xf32>
    %sub3A_1326 = arith.constant 1.000000e+00 : f32
    %sub3A_1327 = vector.broadcast %sub3A_1326 : f32 to vector<400x16xf32>
    %sub3A_1328 = arith.subf %sub3A_1327, %sqrt3A_1325 : vector<400x16xf32>
    %max3A_1329 = arith.constant 0.000000e+00 : f32
    %max3A_1330 = vector.broadcast %max3A_1329 : f32 to vector<400x16xf32>
    %max3A_1331 = arith.maximumf %sub3A_1328, %max3A_1330 : vector<400x16xf32>
    %slice3A_1332 = vector.extract_strided_slice %get3A_1299 {offsets = [0, 0], sizes = [400, 32], strides = [1, 1]} : vector<400x48xf32> to vector<400x32xf32>
    %get3A_1333 = arith.constant 0 : index
    %get3A_1334 = arith.constant 0 : index
    %get3A_1335 = vector.load %arg8[%get3A_1333, %get3A_1334] : memref<16x480xf32, #tpu.memory_space<vmem>>, vector<16x480xf32>
    %dot_general3A_1336 = arith.constant dense<0.000000e+00> : vector<400x480xf32>
    %dot_general3A_1337 = tpu.matmul %max3A_1331, %get3A_1335, %dot_general3A_1336 {dimension_numbers = #tpu.dot_dimension_numbers<[1], [0], [0], [1], [0, 0, 1, 1], [], []>, precision = #tpu.contract_precision<fp32>, transpose_lhs_hint = false} : vector<400x16xf32>, vector<16x480xf32>, vector<400x480xf32> -> vector<400x480xf32>
    %get3A_1338 = arith.constant 0 : index
    %get3A_1339 = arith.constant 0 : index
    %get3A_1340 = vector.load %arg9[%get3A_1338, %get3A_1339] : memref<32x480xf32, #tpu.memory_space<vmem>>, vector<32x480xf32>
    %dot_general3A_1341 = arith.constant dense<0.000000e+00> : vector<400x480xf32>
    %dot_general3A_1342 = tpu.matmul %slice3A_1332, %get3A_1340, %dot_general3A_1341 {dimension_numbers = #tpu.dot_dimension_numbers<[1], [0], [0], [1], [0, 0, 1, 1], [], []>, precision = #tpu.contract_precision<fp32>, transpose_lhs_hint = false} : vector<400x32xf32>, vector<32x480xf32>, vector<400x480xf32> -> vector<400x480xf32>
    %mul3A_1343 = arith.mulf %dot_general3A_1337, %dot_general3A_1342 : vector<400x480xf32>
    %add3A_1344 = arith.addf %add3A_1294, %mul3A_1343 : vector<400x480xf32>
    %get3A_1345 = arith.constant 27 : index
    %get3A_1346 = arith.constant 0 : index
    %get3A_1347 = arith.constant 0 : index
    %get3A_1348 = vector.load %arg1[%get3A_1345, %get3A_1346, %get3A_1347] : memref<32x400x48xf32, #tpu.memory_space<vmem>>, vector<1x400x48xf32>
    %get3A_1349 = vector.shape_cast %get3A_1348 : vector<1x400x48xf32> to vector<400x48xf32>
    %slice3A_1350 = vector.extract_strided_slice %get3A_1349 {offsets = [0, 32], sizes = [400, 8], strides = [1, 1]} : vector<400x48xf32> to vector<400x8xf32>
    %sub3A_1351 = arith.subf %slice3A_1350, %get3A_1 : vector<400x8xf32>
    %mul3A_1352 = arith.mulf %sub3A_1351, %sub3A_1351 : vector<400x8xf32>
    %reduce_sum3A_1353 = arith.constant dense<0.000000e+00> : vector<400xf32>
    %reduce_sum3A_1354 = vector.multi_reduction <add>, %mul3A_1352, %reduce_sum3A_1353 [1] : vector<400x8xf32> to vector<400xf32>
    %broadcast_in_dim3A_1355 = vector.shape_cast %reduce_sum3A_1354 : vector<400xf32> to vector<400x1xf32>
    %sub3A_1356 = arith.constant 1.000000e+00 : f32
    %sub3A_1357 = vector.broadcast %sub3A_1356 : f32 to vector<400x1xf32>
    %sub3A_1358 = arith.subf %broadcast_in_dim3A_1355, %sub3A_1357 : vector<400x1xf32>
    %get3A_1359 = arith.constant 0 : index
    %get3A_1360 = arith.constant 0 : index
    %get3A_1361 = vector.load %arg7[%get3A_1359, %get3A_1360] : memref<8x16xf32, #tpu.memory_space<vmem>>, vector<8x16xf32>
    %dot_general3A_1362 = arith.constant dense<0.000000e+00> : vector<400x16xf32>
    %dot_general3A_1363 = tpu.matmul %sub3A_1351, %get3A_1361, %dot_general3A_1362 {dimension_numbers = #tpu.dot_dimension_numbers<[1], [0], [0], [1], [0, 0, 1, 1], [], []>, precision = #tpu.contract_precision<fp32>, transpose_lhs_hint = false} : vector<400x8xf32>, vector<8x16xf32>, vector<400x16xf32> -> vector<400x16xf32>
    %mul3A_1364 = arith.constant 2.000000e+00 : f32
    %mul3A_1365 = vector.broadcast %mul3A_1364 : f32 to vector<400x16xf32>
    %mul3A_1366 = arith.mulf %mul3A_1365, %dot_general3A_1363 : vector<400x16xf32>
    %sub3A_1367 = vector.broadcast %sub3A_1358 : vector<400x1xf32> to vector<400x16xf32>
    %sub3A_1368 = arith.subf %sub3A_1367, %mul3A_1366 : vector<400x16xf32>
    %max3A_1369 = arith.constant 0.000000e+00 : f32
    %max3A_1370 = vector.broadcast %max3A_1369 : f32 to vector<400x16xf32>
    %max3A_1371 = arith.maximumf %sub3A_1368, %max3A_1370 : vector<400x16xf32>
    %add3A_1372 = arith.constant 9.99999996E-13 : f32
    %add3A_1373 = vector.broadcast %add3A_1372 : f32 to vector<400x16xf32>
    %add3A_1374 = arith.addf %max3A_1371, %add3A_1373 : vector<400x16xf32>
    %sqrt3A_1375 = math.sqrt %add3A_1374 : vector<400x16xf32>
    %sub3A_1376 = arith.constant 1.000000e+00 : f32
    %sub3A_1377 = vector.broadcast %sub3A_1376 : f32 to vector<400x16xf32>
    %sub3A_1378 = arith.subf %sub3A_1377, %sqrt3A_1375 : vector<400x16xf32>
    %max3A_1379 = arith.constant 0.000000e+00 : f32
    %max3A_1380 = vector.broadcast %max3A_1379 : f32 to vector<400x16xf32>
    %max3A_1381 = arith.maximumf %sub3A_1378, %max3A_1380 : vector<400x16xf32>
    %slice3A_1382 = vector.extract_strided_slice %get3A_1349 {offsets = [0, 0], sizes = [400, 32], strides = [1, 1]} : vector<400x48xf32> to vector<400x32xf32>
    %get3A_1383 = arith.constant 0 : index
    %get3A_1384 = arith.constant 0 : index
    %get3A_1385 = vector.load %arg8[%get3A_1383, %get3A_1384] : memref<16x480xf32, #tpu.memory_space<vmem>>, vector<16x480xf32>
    %dot_general3A_1386 = arith.constant dense<0.000000e+00> : vector<400x480xf32>
    %dot_general3A_1387 = tpu.matmul %max3A_1381, %get3A_1385, %dot_general3A_1386 {dimension_numbers = #tpu.dot_dimension_numbers<[1], [0], [0], [1], [0, 0, 1, 1], [], []>, precision = #tpu.contract_precision<fp32>, transpose_lhs_hint = false} : vector<400x16xf32>, vector<16x480xf32>, vector<400x480xf32> -> vector<400x480xf32>
    %get3A_1388 = arith.constant 0 : index
    %get3A_1389 = arith.constant 0 : index
    %get3A_1390 = vector.load %arg9[%get3A_1388, %get3A_1389] : memref<32x480xf32, #tpu.memory_space<vmem>>, vector<32x480xf32>
    %dot_general3A_1391 = arith.constant dense<0.000000e+00> : vector<400x480xf32>
    %dot_general3A_1392 = tpu.matmul %slice3A_1382, %get3A_1390, %dot_general3A_1391 {dimension_numbers = #tpu.dot_dimension_numbers<[1], [0], [0], [1], [0, 0, 1, 1], [], []>, precision = #tpu.contract_precision<fp32>, transpose_lhs_hint = false} : vector<400x32xf32>, vector<32x480xf32>, vector<400x480xf32> -> vector<400x480xf32>
    %mul3A_1393 = arith.mulf %dot_general3A_1387, %dot_general3A_1392 : vector<400x480xf32>
    %add3A_1394 = arith.addf %add3A_1344, %mul3A_1393 : vector<400x480xf32>
    %get3A_1395 = arith.constant 28 : index
    %get3A_1396 = arith.constant 0 : index
    %get3A_1397 = arith.constant 0 : index
    %get3A_1398 = vector.load %arg1[%get3A_1395, %get3A_1396, %get3A_1397] : memref<32x400x48xf32, #tpu.memory_space<vmem>>, vector<1x400x48xf32>
    %get3A_1399 = vector.shape_cast %get3A_1398 : vector<1x400x48xf32> to vector<400x48xf32>
    %slice3A_1400 = vector.extract_strided_slice %get3A_1399 {offsets = [0, 32], sizes = [400, 8], strides = [1, 1]} : vector<400x48xf32> to vector<400x8xf32>
    %sub3A_1401 = arith.subf %slice3A_1400, %get3A_1 : vector<400x8xf32>
    %mul3A_1402 = arith.mulf %sub3A_1401, %sub3A_1401 : vector<400x8xf32>
    %reduce_sum3A_1403 = arith.constant dense<0.000000e+00> : vector<400xf32>
    %reduce_sum3A_1404 = vector.multi_reduction <add>, %mul3A_1402, %reduce_sum3A_1403 [1] : vector<400x8xf32> to vector<400xf32>
    %broadcast_in_dim3A_1405 = vector.shape_cast %reduce_sum3A_1404 : vector<400xf32> to vector<400x1xf32>
    %sub3A_1406 = arith.constant 1.000000e+00 : f32
    %sub3A_1407 = vector.broadcast %sub3A_1406 : f32 to vector<400x1xf32>
    %sub3A_1408 = arith.subf %broadcast_in_dim3A_1405, %sub3A_1407 : vector<400x1xf32>
    %get3A_1409 = arith.constant 0 : index
    %get3A_1410 = arith.constant 0 : index
    %get3A_1411 = vector.load %arg7[%get3A_1409, %get3A_1410] : memref<8x16xf32, #tpu.memory_space<vmem>>, vector<8x16xf32>
    %dot_general3A_1412 = arith.constant dense<0.000000e+00> : vector<400x16xf32>
    %dot_general3A_1413 = tpu.matmul %sub3A_1401, %get3A_1411, %dot_general3A_1412 {dimension_numbers = #tpu.dot_dimension_numbers<[1], [0], [0], [1], [0, 0, 1, 1], [], []>, precision = #tpu.contract_precision<fp32>, transpose_lhs_hint = false} : vector<400x8xf32>, vector<8x16xf32>, vector<400x16xf32> -> vector<400x16xf32>
    %mul3A_1414 = arith.constant 2.000000e+00 : f32
    %mul3A_1415 = vector.broadcast %mul3A_1414 : f32 to vector<400x16xf32>
    %mul3A_1416 = arith.mulf %mul3A_1415, %dot_general3A_1413 : vector<400x16xf32>
    %sub3A_1417 = vector.broadcast %sub3A_1408 : vector<400x1xf32> to vector<400x16xf32>
    %sub3A_1418 = arith.subf %sub3A_1417, %mul3A_1416 : vector<400x16xf32>
    %max3A_1419 = arith.constant 0.000000e+00 : f32
    %max3A_1420 = vector.broadcast %max3A_1419 : f32 to vector<400x16xf32>
    %max3A_1421 = arith.maximumf %sub3A_1418, %max3A_1420 : vector<400x16xf32>
    %add3A_1422 = arith.constant 9.99999996E-13 : f32
    %add3A_1423 = vector.broadcast %add3A_1422 : f32 to vector<400x16xf32>
    %add3A_1424 = arith.addf %max3A_1421, %add3A_1423 : vector<400x16xf32>
    %sqrt3A_1425 = math.sqrt %add3A_1424 : vector<400x16xf32>
    %sub3A_1426 = arith.constant 1.000000e+00 : f32
    %sub3A_1427 = vector.broadcast %sub3A_1426 : f32 to vector<400x16xf32>
    %sub3A_1428 = arith.subf %sub3A_1427, %sqrt3A_1425 : vector<400x16xf32>
    %max3A_1429 = arith.constant 0.000000e+00 : f32
    %max3A_1430 = vector.broadcast %max3A_1429 : f32 to vector<400x16xf32>
    %max3A_1431 = arith.maximumf %sub3A_1428, %max3A_1430 : vector<400x16xf32>
    %slice3A_1432 = vector.extract_strided_slice %get3A_1399 {offsets = [0, 0], sizes = [400, 32], strides = [1, 1]} : vector<400x48xf32> to vector<400x32xf32>
    %get3A_1433 = arith.constant 0 : index
    %get3A_1434 = arith.constant 0 : index
    %get3A_1435 = vector.load %arg8[%get3A_1433, %get3A_1434] : memref<16x480xf32, #tpu.memory_space<vmem>>, vector<16x480xf32>
    %dot_general3A_1436 = arith.constant dense<0.000000e+00> : vector<400x480xf32>
    %dot_general3A_1437 = tpu.matmul %max3A_1431, %get3A_1435, %dot_general3A_1436 {dimension_numbers = #tpu.dot_dimension_numbers<[1], [0], [0], [1], [0, 0, 1, 1], [], []>, precision = #tpu.contract_precision<fp32>, transpose_lhs_hint = false} : vector<400x16xf32>, vector<16x480xf32>, vector<400x480xf32> -> vector<400x480xf32>
    %get3A_1438 = arith.constant 0 : index
    %get3A_1439 = arith.constant 0 : index
    %get3A_1440 = vector.load %arg9[%get3A_1438, %get3A_1439] : memref<32x480xf32, #tpu.memory_space<vmem>>, vector<32x480xf32>
    %dot_general3A_1441 = arith.constant dense<0.000000e+00> : vector<400x480xf32>
    %dot_general3A_1442 = tpu.matmul %slice3A_1432, %get3A_1440, %dot_general3A_1441 {dimension_numbers = #tpu.dot_dimension_numbers<[1], [0], [0], [1], [0, 0, 1, 1], [], []>, precision = #tpu.contract_precision<fp32>, transpose_lhs_hint = false} : vector<400x32xf32>, vector<32x480xf32>, vector<400x480xf32> -> vector<400x480xf32>
    %mul3A_1443 = arith.mulf %dot_general3A_1437, %dot_general3A_1442 : vector<400x480xf32>
    %add3A_1444 = arith.addf %add3A_1394, %mul3A_1443 : vector<400x480xf32>
    %get3A_1445 = arith.constant 29 : index
    %get3A_1446 = arith.constant 0 : index
    %get3A_1447 = arith.constant 0 : index
    %get3A_1448 = vector.load %arg1[%get3A_1445, %get3A_1446, %get3A_1447] : memref<32x400x48xf32, #tpu.memory_space<vmem>>, vector<1x400x48xf32>
    %get3A_1449 = vector.shape_cast %get3A_1448 : vector<1x400x48xf32> to vector<400x48xf32>
    %slice3A_1450 = vector.extract_strided_slice %get3A_1449 {offsets = [0, 32], sizes = [400, 8], strides = [1, 1]} : vector<400x48xf32> to vector<400x8xf32>
    %sub3A_1451 = arith.subf %slice3A_1450, %get3A_1 : vector<400x8xf32>
    %mul3A_1452 = arith.mulf %sub3A_1451, %sub3A_1451 : vector<400x8xf32>
    %reduce_sum3A_1453 = arith.constant dense<0.000000e+00> : vector<400xf32>
    %reduce_sum3A_1454 = vector.multi_reduction <add>, %mul3A_1452, %reduce_sum3A_1453 [1] : vector<400x8xf32> to vector<400xf32>
    %broadcast_in_dim3A_1455 = vector.shape_cast %reduce_sum3A_1454 : vector<400xf32> to vector<400x1xf32>
    %sub3A_1456 = arith.constant 1.000000e+00 : f32
    %sub3A_1457 = vector.broadcast %sub3A_1456 : f32 to vector<400x1xf32>
    %sub3A_1458 = arith.subf %broadcast_in_dim3A_1455, %sub3A_1457 : vector<400x1xf32>
    %get3A_1459 = arith.constant 0 : index
    %get3A_1460 = arith.constant 0 : index
    %get3A_1461 = vector.load %arg7[%get3A_1459, %get3A_1460] : memref<8x16xf32, #tpu.memory_space<vmem>>, vector<8x16xf32>
    %dot_general3A_1462 = arith.constant dense<0.000000e+00> : vector<400x16xf32>
    %dot_general3A_1463 = tpu.matmul %sub3A_1451, %get3A_1461, %dot_general3A_1462 {dimension_numbers = #tpu.dot_dimension_numbers<[1], [0], [0], [1], [0, 0, 1, 1], [], []>, precision = #tpu.contract_precision<fp32>, transpose_lhs_hint = false} : vector<400x8xf32>, vector<8x16xf32>, vector<400x16xf32> -> vector<400x16xf32>
    %mul3A_1464 = arith.constant 2.000000e+00 : f32
    %mul3A_1465 = vector.broadcast %mul3A_1464 : f32 to vector<400x16xf32>
    %mul3A_1466 = arith.mulf %mul3A_1465, %dot_general3A_1463 : vector<400x16xf32>
    %sub3A_1467 = vector.broadcast %sub3A_1458 : vector<400x1xf32> to vector<400x16xf32>
    %sub3A_1468 = arith.subf %sub3A_1467, %mul3A_1466 : vector<400x16xf32>
    %max3A_1469 = arith.constant 0.000000e+00 : f32
    %max3A_1470 = vector.broadcast %max3A_1469 : f32 to vector<400x16xf32>
    %max3A_1471 = arith.maximumf %sub3A_1468, %max3A_1470 : vector<400x16xf32>
    %add3A_1472 = arith.constant 9.99999996E-13 : f32
    %add3A_1473 = vector.broadcast %add3A_1472 : f32 to vector<400x16xf32>
    %add3A_1474 = arith.addf %max3A_1471, %add3A_1473 : vector<400x16xf32>
    %sqrt3A_1475 = math.sqrt %add3A_1474 : vector<400x16xf32>
    %sub3A_1476 = arith.constant 1.000000e+00 : f32
    %sub3A_1477 = vector.broadcast %sub3A_1476 : f32 to vector<400x16xf32>
    %sub3A_1478 = arith.subf %sub3A_1477, %sqrt3A_1475 : vector<400x16xf32>
    %max3A_1479 = arith.constant 0.000000e+00 : f32
    %max3A_1480 = vector.broadcast %max3A_1479 : f32 to vector<400x16xf32>
    %max3A_1481 = arith.maximumf %sub3A_1478, %max3A_1480 : vector<400x16xf32>
    %slice3A_1482 = vector.extract_strided_slice %get3A_1449 {offsets = [0, 0], sizes = [400, 32], strides = [1, 1]} : vector<400x48xf32> to vector<400x32xf32>
    %get3A_1483 = arith.constant 0 : index
    %get3A_1484 = arith.constant 0 : index
    %get3A_1485 = vector.load %arg8[%get3A_1483, %get3A_1484] : memref<16x480xf32, #tpu.memory_space<vmem>>, vector<16x480xf32>
    %dot_general3A_1486 = arith.constant dense<0.000000e+00> : vector<400x480xf32>
    %dot_general3A_1487 = tpu.matmul %max3A_1481, %get3A_1485, %dot_general3A_1486 {dimension_numbers = #tpu.dot_dimension_numbers<[1], [0], [0], [1], [0, 0, 1, 1], [], []>, precision = #tpu.contract_precision<fp32>, transpose_lhs_hint = false} : vector<400x16xf32>, vector<16x480xf32>, vector<400x480xf32> -> vector<400x480xf32>
    %get3A_1488 = arith.constant 0 : index
    %get3A_1489 = arith.constant 0 : index
    %get3A_1490 = vector.load %arg9[%get3A_1488, %get3A_1489] : memref<32x480xf32, #tpu.memory_space<vmem>>, vector<32x480xf32>
    %dot_general3A_1491 = arith.constant dense<0.000000e+00> : vector<400x480xf32>
    %dot_general3A_1492 = tpu.matmul %slice3A_1482, %get3A_1490, %dot_general3A_1491 {dimension_numbers = #tpu.dot_dimension_numbers<[1], [0], [0], [1], [0, 0, 1, 1], [], []>, precision = #tpu.contract_precision<fp32>, transpose_lhs_hint = false} : vector<400x32xf32>, vector<32x480xf32>, vector<400x480xf32> -> vector<400x480xf32>
    %mul3A_1493 = arith.mulf %dot_general3A_1487, %dot_general3A_1492 : vector<400x480xf32>
    %add3A_1494 = arith.addf %add3A_1444, %mul3A_1493 : vector<400x480xf32>
    %get3A_1495 = arith.constant 30 : index
    %get3A_1496 = arith.constant 0 : index
    %get3A_1497 = arith.constant 0 : index
    %get3A_1498 = vector.load %arg1[%get3A_1495, %get3A_1496, %get3A_1497] : memref<32x400x48xf32, #tpu.memory_space<vmem>>, vector<1x400x48xf32>
    %get3A_1499 = vector.shape_cast %get3A_1498 : vector<1x400x48xf32> to vector<400x48xf32>
    %slice3A_1500 = vector.extract_strided_slice %get3A_1499 {offsets = [0, 32], sizes = [400, 8], strides = [1, 1]} : vector<400x48xf32> to vector<400x8xf32>
    %sub3A_1501 = arith.subf %slice3A_1500, %get3A_1 : vector<400x8xf32>
    %mul3A_1502 = arith.mulf %sub3A_1501, %sub3A_1501 : vector<400x8xf32>
    %reduce_sum3A_1503 = arith.constant dense<0.000000e+00> : vector<400xf32>
    %reduce_sum3A_1504 = vector.multi_reduction <add>, %mul3A_1502, %reduce_sum3A_1503 [1] : vector<400x8xf32> to vector<400xf32>
    %broadcast_in_dim3A_1505 = vector.shape_cast %reduce_sum3A_1504 : vector<400xf32> to vector<400x1xf32>
    %sub3A_1506 = arith.constant 1.000000e+00 : f32
    %sub3A_1507 = vector.broadcast %sub3A_1506 : f32 to vector<400x1xf32>
    %sub3A_1508 = arith.subf %broadcast_in_dim3A_1505, %sub3A_1507 : vector<400x1xf32>
    %get3A_1509 = arith.constant 0 : index
    %get3A_1510 = arith.constant 0 : index
    %get3A_1511 = vector.load %arg7[%get3A_1509, %get3A_1510] : memref<8x16xf32, #tpu.memory_space<vmem>>, vector<8x16xf32>
    %dot_general3A_1512 = arith.constant dense<0.000000e+00> : vector<400x16xf32>
    %dot_general3A_1513 = tpu.matmul %sub3A_1501, %get3A_1511, %dot_general3A_1512 {dimension_numbers = #tpu.dot_dimension_numbers<[1], [0], [0], [1], [0, 0, 1, 1], [], []>, precision = #tpu.contract_precision<fp32>, transpose_lhs_hint = false} : vector<400x8xf32>, vector<8x16xf32>, vector<400x16xf32> -> vector<400x16xf32>
    %mul3A_1514 = arith.constant 2.000000e+00 : f32
    %mul3A_1515 = vector.broadcast %mul3A_1514 : f32 to vector<400x16xf32>
    %mul3A_1516 = arith.mulf %mul3A_1515, %dot_general3A_1513 : vector<400x16xf32>
    %sub3A_1517 = vector.broadcast %sub3A_1508 : vector<400x1xf32> to vector<400x16xf32>
    %sub3A_1518 = arith.subf %sub3A_1517, %mul3A_1516 : vector<400x16xf32>
    %max3A_1519 = arith.constant 0.000000e+00 : f32
    %max3A_1520 = vector.broadcast %max3A_1519 : f32 to vector<400x16xf32>
    %max3A_1521 = arith.maximumf %sub3A_1518, %max3A_1520 : vector<400x16xf32>
    %add3A_1522 = arith.constant 9.99999996E-13 : f32
    %add3A_1523 = vector.broadcast %add3A_1522 : f32 to vector<400x16xf32>
    %add3A_1524 = arith.addf %max3A_1521, %add3A_1523 : vector<400x16xf32>
    %sqrt3A_1525 = math.sqrt %add3A_1524 : vector<400x16xf32>
    %sub3A_1526 = arith.constant 1.000000e+00 : f32
    %sub3A_1527 = vector.broadcast %sub3A_1526 : f32 to vector<400x16xf32>
    %sub3A_1528 = arith.subf %sub3A_1527, %sqrt3A_1525 : vector<400x16xf32>
    %max3A_1529 = arith.constant 0.000000e+00 : f32
    %max3A_1530 = vector.broadcast %max3A_1529 : f32 to vector<400x16xf32>
    %max3A_1531 = arith.maximumf %sub3A_1528, %max3A_1530 : vector<400x16xf32>
    %slice3A_1532 = vector.extract_strided_slice %get3A_1499 {offsets = [0, 0], sizes = [400, 32], strides = [1, 1]} : vector<400x48xf32> to vector<400x32xf32>
    %get3A_1533 = arith.constant 0 : index
    %get3A_1534 = arith.constant 0 : index
    %get3A_1535 = vector.load %arg8[%get3A_1533, %get3A_1534] : memref<16x480xf32, #tpu.memory_space<vmem>>, vector<16x480xf32>
    %dot_general3A_1536 = arith.constant dense<0.000000e+00> : vector<400x480xf32>
    %dot_general3A_1537 = tpu.matmul %max3A_1531, %get3A_1535, %dot_general3A_1536 {dimension_numbers = #tpu.dot_dimension_numbers<[1], [0], [0], [1], [0, 0, 1, 1], [], []>, precision = #tpu.contract_precision<fp32>, transpose_lhs_hint = false} : vector<400x16xf32>, vector<16x480xf32>, vector<400x480xf32> -> vector<400x480xf32>
    %get3A_1538 = arith.constant 0 : index
    %get3A_1539 = arith.constant 0 : index
    %get3A_1540 = vector.load %arg9[%get3A_1538, %get3A_1539] : memref<32x480xf32, #tpu.memory_space<vmem>>, vector<32x480xf32>
    %dot_general3A_1541 = arith.constant dense<0.000000e+00> : vector<400x480xf32>
    %dot_general3A_1542 = tpu.matmul %slice3A_1532, %get3A_1540, %dot_general3A_1541 {dimension_numbers = #tpu.dot_dimension_numbers<[1], [0], [0], [1], [0, 0, 1, 1], [], []>, precision = #tpu.contract_precision<fp32>, transpose_lhs_hint = false} : vector<400x32xf32>, vector<32x480xf32>, vector<400x480xf32> -> vector<400x480xf32>
    %mul3A_1543 = arith.mulf %dot_general3A_1537, %dot_general3A_1542 : vector<400x480xf32>
    %add3A_1544 = arith.addf %add3A_1494, %mul3A_1543 : vector<400x480xf32>
    %get3A_1545 = arith.constant 31 : index
    %get3A_1546 = arith.constant 0 : index
    %get3A_1547 = arith.constant 0 : index
    %get3A_1548 = vector.load %arg1[%get3A_1545, %get3A_1546, %get3A_1547] : memref<32x400x48xf32, #tpu.memory_space<vmem>>, vector<1x400x48xf32>
    %get3A_1549 = vector.shape_cast %get3A_1548 : vector<1x400x48xf32> to vector<400x48xf32>
    %slice3A_1550 = vector.extract_strided_slice %get3A_1549 {offsets = [0, 32], sizes = [400, 8], strides = [1, 1]} : vector<400x48xf32> to vector<400x8xf32>
    %sub3A_1551 = arith.subf %slice3A_1550, %get3A_1 : vector<400x8xf32>
    %mul3A_1552 = arith.mulf %sub3A_1551, %sub3A_1551 : vector<400x8xf32>
    %reduce_sum3A_1553 = arith.constant dense<0.000000e+00> : vector<400xf32>
    %reduce_sum3A_1554 = vector.multi_reduction <add>, %mul3A_1552, %reduce_sum3A_1553 [1] : vector<400x8xf32> to vector<400xf32>
    %broadcast_in_dim3A_1555 = vector.shape_cast %reduce_sum3A_1554 : vector<400xf32> to vector<400x1xf32>
    %sub3A_1556 = arith.constant 1.000000e+00 : f32
    %sub3A_1557 = vector.broadcast %sub3A_1556 : f32 to vector<400x1xf32>
    %sub3A_1558 = arith.subf %broadcast_in_dim3A_1555, %sub3A_1557 : vector<400x1xf32>
    %get3A_1559 = arith.constant 0 : index
    %get3A_1560 = arith.constant 0 : index
    %get3A_1561 = vector.load %arg7[%get3A_1559, %get3A_1560] : memref<8x16xf32, #tpu.memory_space<vmem>>, vector<8x16xf32>
    %dot_general3A_1562 = arith.constant dense<0.000000e+00> : vector<400x16xf32>
    %dot_general3A_1563 = tpu.matmul %sub3A_1551, %get3A_1561, %dot_general3A_1562 {dimension_numbers = #tpu.dot_dimension_numbers<[1], [0], [0], [1], [0, 0, 1, 1], [], []>, precision = #tpu.contract_precision<fp32>, transpose_lhs_hint = false} : vector<400x8xf32>, vector<8x16xf32>, vector<400x16xf32> -> vector<400x16xf32>
    %mul3A_1564 = arith.constant 2.000000e+00 : f32
    %mul3A_1565 = vector.broadcast %mul3A_1564 : f32 to vector<400x16xf32>
    %mul3A_1566 = arith.mulf %mul3A_1565, %dot_general3A_1563 : vector<400x16xf32>
    %sub3A_1567 = vector.broadcast %sub3A_1558 : vector<400x1xf32> to vector<400x16xf32>
    %sub3A_1568 = arith.subf %sub3A_1567, %mul3A_1566 : vector<400x16xf32>
    %max3A_1569 = arith.constant 0.000000e+00 : f32
    %max3A_1570 = vector.broadcast %max3A_1569 : f32 to vector<400x16xf32>
    %max3A_1571 = arith.maximumf %sub3A_1568, %max3A_1570 : vector<400x16xf32>
    %add3A_1572 = arith.constant 9.99999996E-13 : f32
    %add3A_1573 = vector.broadcast %add3A_1572 : f32 to vector<400x16xf32>
    %add3A_1574 = arith.addf %max3A_1571, %add3A_1573 : vector<400x16xf32>
    %sqrt3A_1575 = math.sqrt %add3A_1574 : vector<400x16xf32>
    %sub3A_1576 = arith.constant 1.000000e+00 : f32
    %sub3A_1577 = vector.broadcast %sub3A_1576 : f32 to vector<400x16xf32>
    %sub3A_1578 = arith.subf %sub3A_1577, %sqrt3A_1575 : vector<400x16xf32>
    %max3A_1579 = arith.constant 0.000000e+00 : f32
    %max3A_1580 = vector.broadcast %max3A_1579 : f32 to vector<400x16xf32>
    %max3A_1581 = arith.maximumf %sub3A_1578, %max3A_1580 : vector<400x16xf32>
    %slice3A_1582 = vector.extract_strided_slice %get3A_1549 {offsets = [0, 0], sizes = [400, 32], strides = [1, 1]} : vector<400x48xf32> to vector<400x32xf32>
    %get3A_1583 = arith.constant 0 : index
    %get3A_1584 = arith.constant 0 : index
    %get3A_1585 = vector.load %arg8[%get3A_1583, %get3A_1584] : memref<16x480xf32, #tpu.memory_space<vmem>>, vector<16x480xf32>
    %dot_general3A_1586 = arith.constant dense<0.000000e+00> : vector<400x480xf32>
    %dot_general3A_1587 = tpu.matmul %max3A_1581, %get3A_1585, %dot_general3A_1586 {dimension_numbers = #tpu.dot_dimension_numbers<[1], [0], [0], [1], [0, 0, 1, 1], [], []>, precision = #tpu.contract_precision<fp32>, transpose_lhs_hint = false} : vector<400x16xf32>, vector<16x480xf32>, vector<400x480xf32> -> vector<400x480xf32>
    %get3A_1588 = arith.constant 0 : index
    %get3A_1589 = arith.constant 0 : index
    %get3A_1590 = vector.load %arg9[%get3A_1588, %get3A_1589] : memref<32x480xf32, #tpu.memory_space<vmem>>, vector<32x480xf32>
    %dot_general3A_1591 = arith.constant dense<0.000000e+00> : vector<400x480xf32>
    %dot_general3A_1592 = tpu.matmul %slice3A_1582, %get3A_1590, %dot_general3A_1591 {dimension_numbers = #tpu.dot_dimension_numbers<[1], [0], [0], [1], [0, 0, 1, 1], [], []>, precision = #tpu.contract_precision<fp32>, transpose_lhs_hint = false} : vector<400x32xf32>, vector<32x480xf32>, vector<400x480xf32> -> vector<400x480xf32>
    %mul3A_1593 = arith.mulf %dot_general3A_1587, %dot_general3A_1592 : vector<400x480xf32>
    %add3A_1594 = arith.addf %add3A_1544, %mul3A_1593 : vector<400x480xf32>
    %get3A_1595 = arith.constant 0 : index
    %get3A_1596 = arith.constant 0 : index
    %get3A_1597 = vector.load %arg4[%get3A_1595, %get3A_1596] : memref<480x32xf32, #tpu.memory_space<vmem>>, vector<480x32xf32>
    %dot_general3A_1598 = arith.constant dense<0.000000e+00> : vector<400x32xf32>
    %dot_general3A_1599 = tpu.matmul %add3A_1594, %get3A_1597, %dot_general3A_1598 {dimension_numbers = #tpu.dot_dimension_numbers<[1], [0], [0], [1], [0, 0, 1, 1], [], []>, precision = #tpu.contract_precision<fp32>, transpose_lhs_hint = false} : vector<400x480xf32>, vector<480x32xf32>, vector<400x32xf32> -> vector<400x32xf32>
    %jit3A = arith.constant 1.000000e-01 : f32
    %ge3A = arith.constant 0.000000e+00 : f32
    %ge3A_1600 = vector.broadcast %ge3A : f32 to vector<400x32xf32>
    %ge3A_1601 = arith.cmpf oge, %dot_general3A_1599, %ge3A_1600 : vector<400x32xf32>
    %mul3A_1602 = vector.broadcast %jit3A : f32 to vector<400x32xf32>
    %mul3A_1603 = arith.mulf %mul3A_1602, %dot_general3A_1599 : vector<400x32xf32>
    %select_n3A = arith.select %ge3A_1601, %dot_general3A_1599, %mul3A_1603 : vector<400x32xi1>, vector<400x32xf32>
    %get3A_1604 = arith.constant 0 : index
    %get3A_1605 = arith.constant 0 : index
    %get3A_1606 = vector.load %arg5[%get3A_1604, %get3A_1605] : memref<32x128xf32, #tpu.memory_space<vmem>>, vector<32x128xf32>
    %dot_general3A_1607 = arith.constant dense<0.000000e+00> : vector<400x128xf32>
    %dot_general3A_1608 = tpu.matmul %select_n3A, %get3A_1606, %dot_general3A_1607 {dimension_numbers = #tpu.dot_dimension_numbers<[1], [0], [0], [1], [0, 0, 1, 1], [], []>, precision = #tpu.contract_precision<fp32>, transpose_lhs_hint = false} : vector<400x32xf32>, vector<32x128xf32>, vector<400x128xf32> -> vector<400x128xf32>
    %jit3A_1609 = arith.constant 1.000000e-01 : f32
    %ge3A_1610 = arith.constant 0.000000e+00 : f32
    %ge3A_1611 = vector.broadcast %ge3A_1610 : f32 to vector<400x128xf32>
    %ge3A_1612 = arith.cmpf oge, %dot_general3A_1608, %ge3A_1611 : vector<400x128xf32>
    %mul3A_1613 = vector.broadcast %jit3A_1609 : f32 to vector<400x128xf32>
    %mul3A_1614 = arith.mulf %mul3A_1613, %dot_general3A_1608 : vector<400x128xf32>
    %select_n3A_1615 = arith.select %ge3A_1612, %dot_general3A_1608, %mul3A_1614 : vector<400x128xi1>, vector<400x128xf32>
    %get3A_1616 = arith.constant 0 : index
    %get3A_1617 = arith.constant 0 : index
    %get3A_1618 = vector.load %arg3[%get3A_1616, %get3A_1617] : memref<400x128xf32, #tpu.memory_space<vmem>>, vector<400x128xf32>
    %get3A_1619 = arith.constant 0 : index
    %get3A_1620 = arith.constant 0 : index
    %get3A_1621 = vector.load %arg6[%get3A_1619, %get3A_1620] : memref<128x128xf32, #tpu.memory_space<vmem>>, vector<128x128xf32>
    %dot_general3A_1622 = arith.constant dense<0.000000e+00> : vector<400x128xf32>
    %dot_general3A_1623 = tpu.matmul %get3A_1618, %get3A_1621, %dot_general3A_1622 {dimension_numbers = #tpu.dot_dimension_numbers<[1], [0], [0], [1], [0, 0, 1, 1], [], []>, precision = #tpu.contract_precision<fp32>, transpose_lhs_hint = false} : vector<400x128xf32>, vector<128x128xf32>, vector<400x128xf32> -> vector<400x128xf32>
    %jit3A_1624 = arith.constant 1.000000e-01 : f32
    %ge3A_1625 = arith.constant 0.000000e+00 : f32
    %ge3A_1626 = vector.broadcast %ge3A_1625 : f32 to vector<400x128xf32>
    %ge3A_1627 = arith.cmpf oge, %dot_general3A_1623, %ge3A_1626 : vector<400x128xf32>
    %mul3A_1628 = vector.broadcast %jit3A_1624 : f32 to vector<400x128xf32>
    %mul3A_1629 = arith.mulf %mul3A_1628, %dot_general3A_1623 : vector<400x128xf32>
    %select_n3A_1630 = arith.select %ge3A_1627, %dot_general3A_1623, %mul3A_1629 : vector<400x128xi1>, vector<400x128xf32>
    %add3A_1631 = arith.addf %select_n3A_1630, %select_n3A_1615 : vector<400x128xf32>
    %jit3A_1632 = arith.constant 1.000000e-01 : f32
    %ge3A_1633 = arith.constant 0.000000e+00 : f32
    %ge3A_1634 = vector.broadcast %ge3A_1633 : f32 to vector<400x128xf32>
    %ge3A_1635 = arith.cmpf oge, %add3A_1631, %ge3A_1634 : vector<400x128xf32>
    %mul3A_1636 = vector.broadcast %jit3A_1632 : f32 to vector<400x128xf32>
    %mul3A_1637 = arith.mulf %mul3A_1636, %add3A_1631 : vector<400x128xf32>
    %select_n3A_1638 = arith.select %ge3A_1635, %add3A_1631, %mul3A_1637 : vector<400x128xi1>, vector<400x128xf32>
    %swap3A = arith.constant 0 : index
    %swap3A_1639 = arith.constant 0 : index
    %swap3A_1640 = vector.load %arg10[%swap3A, %swap3A_1639] : memref<400x128xf32, #tpu.memory_space<vmem>>, vector<400x128xf32>
    tpu.vector_store %arg10[%swap3A, %swap3A_1639], %select_n3A_1638 {strides = array<i32>} : memref<400x128xf32, #tpu.memory_space<vmem>>, vector<400x128xf32>,
    return
  }
  func.func @transform_0(%arg0: i32) -> (i32, i32, i32) {
    %c0_i32 = arith.constant 0 : i32
    %c0_i32_0 = arith.constant 0 : i32
    %c0_i32_1 = arith.constant 0 : i32
    return %c0_i32, %arg0, %c0_i32_0 : i32, i32, i32
  }
  func.func @transform_1(%arg0: i32) -> (i32, i32) {
    %c0_i32 = arith.constant 0 : i32
    %c0_i32_0 = arith.constant 0 : i32
    return %arg0, %c0_i32 : i32, i32
  }
  func.func @transform_2(%arg0: i32) -> (i32, i32) {
    %c0_i32 = arith.constant 0 : i32
    %c0_i32_0 = arith.constant 0 : i32
    return %arg0, %c0_i32 : i32, i32
  }
  func.func @transform_3(%arg0: i32) -> (i32, i32) {
    %c0_i32 = arith.constant 0 : i32
    %c0_i32_0 = arith.constant 0 : i32
    %c0_i32_1 = arith.constant 0 : i32
    return %c0_i32, %c0_i32_0 : i32, i32
  }
  func.func @transform_4(%arg0: i32) -> (i32, i32) {
    %c0_i32 = arith.constant 0 : i32
    %c0_i32_0 = arith.constant 0 : i32
    %c0_i32_1 = arith.constant 0 : i32
    return %c0_i32, %c0_i32_0 : i32, i32
  }
  func.func @transform_5(%arg0: i32) -> (i32, i32) {
    %c0_i32 = arith.constant 0 : i32
    %c0_i32_0 = arith.constant 0 : i32
    %c0_i32_1 = arith.constant 0 : i32
    return %c0_i32, %c0_i32_0 : i32, i32
  }
  func.func @transform_6(%arg0: i32) -> (i32, i32) {
    %c0_i32 = arith.constant 0 : i32
    %c0_i32_0 = arith.constant 0 : i32
    %c0_i32_1 = arith.constant 0 : i32
    return %c0_i32, %c0_i32_0 : i32, i32
  }
  func.func @transform_7(%arg0: i32) -> (i32, i32) {
    %c0_i32 = arith.constant 0 : i32
    %c0_i32_0 = arith.constant 0 : i32
    %c0_i32_1 = arith.constant 0 : i32
    return %c0_i32, %c0_i32_0 : i32, i32
  }
  func.func @transform_8(%arg0: i32) -> (i32, i32) {
    %c0_i32 = arith.constant 0 : i32
    %c0_i32_0 = arith.constant 0 : i32
    %c0_i32_1 = arith.constant 0 : i32
    return %c0_i32, %c0_i32_0 : i32, i32
  }
  func.func @transform_9(%arg0: i32) -> (i32, i32) {
    %c0_i32 = arith.constant 0 : i32
    %c0_i32_0 = arith.constant 0 : i32
    return %arg0, %c0_i32 : i32, i32
  }
}

</mosaic_0001>

<sc_bundles>
// kernel: kernel.5.cloned.1.call-start
scs
__scs_entry_jumppad:
0x0: {  	(pc) =	sbr.rel $0x88, $3  }
0x1: {  	(tag) =	ssettag $0x0;
	lr =	simm.s32 $0x1  }
0x2: {  	[smem:$0x3F99] =	sst lr;
	_ =	strace $0xD0000000  }
0x3: {  	_ = 	snop  }
0x4: {  	_ = 	snop  }
0x5: {  	_ = 	snop  }
0x6: {  	_ = 	snop  }
0x7: {  	_ = 	snop  }
__scs_overlays_trampoline_lowered:
0x8: {  	[smem:$0x3FA8] =	sst s0  }
0x9: {  	[smem:$0x3FA9] =	sst s1  }
0xa: {  	[smem:$0x3FAA] =	sst s2  }
0xb: {  	[smem:$0x3FAB] =	sst s3  }
0xc: {  	[smem:$0x3FAC] =	sst s4  }
0xd: {  	[smem:$0x3FAD] =	sst s5  }
0xe: {  	[smem:$0x3FAE] =	sst s6  }
0xf: {  	[smem:$0x3FAF] =	sst s7  }
0x10: {  	[smem:$0x3FB0] =	sst s8  }
0x11: {  	[smem:$0x3FB1] =	sst s9;
	s0 =	simm.s32 @!p0 $0x0  }
0x12: {  	s1 =	sld [smem:$0x3F97];
	s0 =	simm.s32 @p0 $0x1  }
0x13: {  	[smem:$0x3FB2] =	sst s0;
	s0 =	simm.s32 @!p1 $0x0  }
0x14: {  	s2 =	sld [smem:$0x3F96];
	s0 =	simm.s32 @p1 $0x1  }
0x15: {  	[smem:$0x3FB3] =	sst s0;
	s0 =	simm.s32 @!p2 $0x0  }
0x16: {  	s3 =	sld [smem:$0x3FDB];
	s0 =	simm.s32 @p2 $0x1  }
0x17: {  	s4 =	simm.s32 $0x1BF5;
	[smem:$0x3FB5] =	sst s0  }
0x18: {  	s0 =	sld [smem:$0x3F98];
	_ =	swait.ge [sflag:s4], $0x0  }
0x19: {  	s7 =	sld [smem:$0x3F99]  }
0x1a: {  	s8 =	sadd.s32 $0xFFFFE003, lr  }
0x1b: {  	s9 =	sadd.s32 $0xFFFFFEF7, lr;
	s5 =	simm.s32 $0xFFFFFFFF;
	p2 =	slt.u32 s8, $0xFFFFF086  }
0x1c: {  	p1 =	slt.u32 s9, $0xF7A;
	s5 =	simm.s32 @!p2 $0x0  }
0x1d: {  	s5 =	simm.s32 @p1 $0x1;
	p0 =	seq.s32 s7, s2  }
0x1e: {  	s7 =	smul.u32 @!p0 $0xF7A, s2;
	p2 =	seq.s32 @!p0 s5, $0x0  }
0x1f: {  	s9 =	smul.u32 $0xF7A, s1;
	s8 =	simm.s32 @!p0 $0x1BF5;
	p2 =	por !p2, p0  }
0x20: {  	[sflag:s8] =	ssyncset.s32 @!p0 $0xFFFFF086;
	s6 =	sadd.s32 @!p0 s3, s7;
	s7 =	simm.s32 @!p0 $0x108  }
0x21: {  	s3 =	sadd.s32 s3, s9;
	s6 =	sadd.s32 @!p0 $0x88, s6;
	s7 =	simm.s32 @p2 $0x1082  }
0x22: {  	[simem:s7], [sflag:s8] =	dma.local @!p0 [hbm:s6], $0xF7A  }
0x23: {  	s9 =	sor.u32 $0xD0000000, s2;
	s6 =	simm.s32 $0x108;
	_ =	swait.ge @!p0 [sflag:s8], $0x0  }
0x24: {  	s3 =	sadd.s32 $0x88, s3;
	s6 =	simm.s32 @!p1 $0x1082;
	[sflag:s4] =	ssyncset.s32 $0xFFFFF086  }
0x25: {  	[simem:s6], [sflag:s4] =	dma.local [hbm:s3], $0xF7A  }
0x26: {  	[smem:$0x3F99] =	sst s1;
	(tag) =	ssettag s2;
	_ =	strace s9  }
0x27: {  	s1 =	sld [smem:$0x3FA9]  }
0x28: {  	s2 =	sld [smem:$0x3FAA]  }
0x29: {  	s4 =	sld [smem:$0x3FAC]  }
0x2a: {  	p0 =	seq.s32 s5, $0x0;
	s5 =	sld [smem:$0x3FAD]  }
0x2b: {  	s6 =	sld [smem:$0x3FAE]  }
0x2c: {  	s7 =	sld [smem:$0x3FAF]  }
0x2d: {  	s3 =	simm.s32 $0x108;
	s8 =	sld [smem:$0x3FB0]  }
0x2e: {  	s3 =	simm.s32 @!p0 $0x1082;
	s9 =	sld [smem:$0x3FB1]  }
0x2f: {  	lr =	sadd.s32 s0, s3;
	s0 =	sld [smem:$0x3FA8]  }
0x30: {  	s3 =	sld [smem:$0x3FAB]  }
0x31: {  	[smem:$0x3FB4] =	sst s10  }
0x32: {  	s10 =	sld [smem:$0x3FB2];
	_ =	sdelay $0x3  }
0x33: {  	p0 =	seq.s32 s10, $0x1;
	s10 =	sld [smem:$0x3FB4];
	_ =	sdelay $0x3  }
0x34: {  	[smem:$0x3FB4] =	sst s10  }
0x35: {  	s10 =	sld [smem:$0x3FB3];
	_ =	sdelay $0x3  }
0x36: {  	p1 =	seq.s32 s10, $0x1;
	s10 =	sld [smem:$0x3FB4];
	_ =	sdelay $0x3  }
0x37: {  	[smem:$0x3FB4] =	sst s10  }
0x38: {  	s10 =	sld [smem:$0x3FB5]  }
0x39: {  	_ = 	snop;
	(pc) =	sbr.ind lr, $3  }
0x3a: {  	_ = 	snop  }
0x3b: {  	_ = 	snop  }
0x3c: {  	p2 =	seq.s32 s10, $0x1;
	s10 =	sld [smem:$0x3FB4]  }
0x3d: {  	_ =	shalt  }
0x3e: {  	_ =	shalt  }
0x3f: {  	_ =	shalt  }
0x40: {  	_ =	shalt  }
0x41: {  	_ =	shalt  }
0x42: {  	_ =	shalt  }
0x43: {  	_ =	shalt  }
0x44: {  	_ =	shalt  }
0x45: {  	_ =	shalt  }
0x46: {  	_ =	shalt  }
0x47: {  	_ =	shalt  }
0x48: {  	_ =	shalt  }
0x49: {  	_ =	shalt  }
0x4a: {  	_ =	shalt  }
0x4b: {  	_ =	shalt  }
0x4c: {  	_ =	shalt  }
0x4d: {  	_ =	shalt  }
0x4e: {  	_ =	shalt  }
0x4f: {  	_ =	shalt  }
0x50: {  	_ =	shalt  }
0x51: {  	_ =	shalt  }
0x52: {  	_ =	shalt  }
0x53: {  	_ =	shalt  }
0x54: {  	_ =	shalt  }
0x55: {  	_ =	shalt  }
0x56: {  	_ =	shalt  }
0x57: {  	_ =	shalt  }
0x58: {  	_ =	shalt  }
0x59: {  	_ =	shalt  }
0x5a: {  	_ =	shalt  }
0x5b: {  	_ =	shalt  }
0x5c: {  	_ =	shalt  }
0x5d: {  	_ =	shalt  }
0x5e: {  	_ =	shalt  }
0x5f: {  	_ =	shalt  }
0x60: {  	_ =	shalt  }
0x61: {  	_ =	shalt  }
0x62: {  	_ =	shalt  }
0x63: {  	_ =	shalt  }
0x64: {  	_ =	shalt  }
0x65: {  	_ =	shalt  }
0x66: {  	_ =	shalt  }
0x67: {  	_ =	shalt  }
0x68: {  	_ =	shalt  }
0x69: {  	_ =	shalt  }
0x6a: {  	_ =	shalt  }
0x6b: {  	_ =	shalt  }
0x6c: {  	_ =	shalt  }
0x6d: {  	_ =	shalt  }
0x6e: {  	_ =	shalt  }
0x6f: {  	_ =	shalt  }
0x70: {  	_ =	shalt  }
0x71: {  	_ =	shalt  }
0x72: {  	_ =	shalt  }
0x73: {  	_ =	shalt  }
0x74: {  	_ =	shalt  }
0x75: {  	_ =	shalt  }
0x76: {  	_ =	shalt  }
0x77: {  	_ =	shalt  }
0x78: {  	_ =	shalt  }
0x79: {  	_ =	shalt  }
0x7a: {  	_ =	shalt  }
0x7b: {  	_ =	shalt  }
0x7c: {  	_ =	shalt  }
0x7d: {  	_ =	shalt  }
0x7e: {  	_ =	shalt  }
0x7f: {  	_ =	shalt  }
0x80: {  	_ =	shalt  }
0x81: {  	_ =	shalt  }
0x82: {  	_ =	shalt  }
0x83: {  	_ =	shalt  }
0x84: {  	_ =	shalt  }
0x85: {  	_ =	shalt  }
0x86: {  	_ =	shalt  }
0x87: {  	_ =	shalt  }
.Lfunc_end0:
.L_simem_size_0:
called_computation_lowered:
.L_overlay_start_0:
0x88: {  	s2 =	sld [smem:$0x3FD9]  }
0x89: {  	s3 =	sld [smem:$0x3FFE];
	_ =	sdelay $0x1  }
0x8a: {  	s1 =	srdreg.scid  }
0x8b: {  	s0 =	sand.u32 $0x1, s1  }
0x8c: {  	s17 =	sshll.u32 s0, $0xA;
	s2 =	sadd.s32 s3, s2  }
0x8d: {  	s2 =	sadd.s32 s2, s17  }
0x8e: {  	[smem:$0x3FC0] =	sst s2  }
0x8f: {  	_ = 	snop  }
0x90: {  	s2 =	sld [smem:$0x3FD0];
	(tm) =	ssettm $0x1  }
0x91: {  	s18 =	sld [smem:$0x3FFB];
	_ =	sdelay $0x3  }
0x92: {  	_ =	strace s18  }
0x93: {  	s3 =	sld [smem:$0x3FFC];
	_ =	sdelay $0x3  }
0x94: {  	_ =	strace s3  }
0x95: {  	s3 =	sld [smem:$0x3FFD];
	_ =	sdelay $0x3  }
0x96: {  	_ =	strace s3  }
0x97: {  	_ =	strace $0x8FFFFFFF  }
0x98: {  	s19 =	sld [smem:$0x3FDB];
	_ =	sdelay $0x1  }
0x99: {  	s4 =	simm.s32 $_scs_section_size  }
0x9a: {  	s5 =	simm.s32 $_size__tile_overlayer_lowered;
	s6 =	simm.s32 $_tile_overlayer_lowered  }
0x9b: {  	s22 =	simm.s32 $0x1BFF;
	s21 =	sshll.u32 s6, $0x1;
	s3 =	sadd.s32 s4, s19  }
0x9c: {  	s7 =	simm.s32 $0x0;
	s20 =	sshll.u32 s5, $0x1;
	s5 =	sadd.s32 s21, s3  }
0x9d: {  	[timem:s7], [sflag:s22] =	dma.local [hbm:s5], s20  }
0x9e: {  	_ =	swait.ge [sflag:s22], s20  }
0x9f: {  	s4 =	ssub.s32 $0x0, s20;
	[sflag:s22] =	ssyncset.done $0x0  }
0xa0: {  	[sflag:s22] =	ssyncadd.s32 s4;
	_ =	sdelay $0x1  }
0xa1: {  	s23 =	simm.s32 $0x1B8B  }
0xa2: {  	_ =	swait.ge [sflag:s23], $0x1  }
0xa3: {  	[sflag:s23] =	ssyncset.done $0x0  }
0xa4: {  	s25 =	simm.s32 $0x1B8E;
	s24 =	sld [smem:$0x3FFE];
	[sflag:s23] =	ssyncadd.s32 $0xFFFFFFFF  }
0xa5: {  	s26 =	simm.s32 $execute0_lowered;
	[smem:$0x3FD2] =	sst s25  }
0xa6: {  	s5 =	sshll.u32 s26, $0x1;
	_ =	strace $0x80000046;
	[dreg:$0x1] =	wrdreg $0xFFFFFFFF  }
0xa7: {  	s28 =	simm.s32 $_size_execute0_lowered;
	s3 =	sadd.s32 s3, s5;
	[dreg:$0x0] =	wrdreg $0x0  }
0xa8: {  	s5 =	sshll.u32 s28, $0x1;
	[dreg:$0x2] =	wrdreg s3  }
0xa9: {  	[dreg:$0x3] =	wrdreg s5  }
0xaa: {  	[dreg:$0x4] =	wrdreg $0xC0  }
0xab: {  	_ =	task [dreg:s7], $0x5FFFF  }
0xac: {  	[dreg:$0x1] =	wrdreg $0xFFFFFFFF  }
0xad: {  	[dreg:$0x0] =	wrdreg $0x60  }
0xae: {  	[dreg:$0x2] =	wrdreg s2  }
0xaf: {  	[dreg:$0x3] =	wrdreg s24  }
0xb0: {  	[dreg:$0x4] =	wrdreg $0x9  }
0xb1: {  	_ =	task.clear_ibuf [dreg:s7], $0x5FFFF;
	_ =	strace $0x90000046  }
0xb2: {  	s29 =	simm.s32 $0x9;
	_ =	strace $0x80000048  }
0xb3: {  	_ =	swait.ge [sflag:s29], $0x1  }
0xb4: {  	[sflag:s29] =	ssyncadd.s32 $0xFFFFFFFF  }
0xb5: {  	_ =	strace $0x90000048  }
0xb6: {  	_ =	sfence  }
0xb7: {  	s30 =	sld [smem:$0x0];
	_ =	sdelay $0x2  }
0xb8: {  	s31 =	sshll.u32 s1, $0xD;
	s1 =	sshrl.u32 s1, $0x2  }
0xb9: {  	s3 =	sand.u32 $0x4000, s31;
	s1 =	sadd.s32 s1, s30  }
0xba: {  	s0 =	sor.u32 s3, s0;
	s1 =	sshll.u32 s1, $0x11  }
0xbb: {  	s0 =	sor.u32 s1, s0  }
0xbc: {  	s0 =	sadd.s32 $0x8F2B, s0  }
0xbd: {  	[sflag:s0] =	ssyncadd.remote.s32 $0x1  }
0xbe: {  	_ =	sfence.sel $0xFFFF  }
0xbf: {  	[dreg:$0x0] =	wrdreg $0xFFFFFFFF;
	(pc) =	sbr.abs _section_cstart, $3  }
0xc0: {  	[dreg:$0x1] =	wrdreg $0xFFFFFFFF  }
0xc1: {  	_ =	task.clear_ibuf [dreg:s7], $0x2FFFF;
	_ =	strace $0x9FFFFFFF  }
0xc2: {  	(tm) =	ssettm $0x7FFFFFFF  }
0xc3: {  	_ =	shalt  }
tec
execute0_lowered:
.L_overlay_start_1:
0x0: {  	(tag) =	ssettag $0x1  }
0x1: {  	s1 =	srdreg.scid;
	s0 =	stileid.u32  }
0x2: {  	s16 =	sand.u32 $0x1, s1;
	s30 =	sshll.u32 s0, $0x1  }
0x3: {  	s6 =	sor.u32 s16, s30  }
0x4: {  	s2 =	rddreg [dreg:$0x0];
	s4 =	smul.u32 $0x2710, s6  }
0x5: {  	s8 =	rddreg [dreg:$0x1]  }
0x6: {  	s3 =	simm.s32 $0x0;
	s1 =	rddreg [dreg:$0x2];
	s4 =	sshrl.u32 s4, $0x3  }
0x7: {  	[smem:$0x7FF] =	sst s3;
	s15 =	sadd.s32 s4, s8  }
0x8: {  	_ =	strace $0x80000047;
	s4 =	simm.s32 $0x2;
	s5 =	sadd.s32 $0x1800, s15  }
0x9: {  	[tilespmem:s3], [sflag:$0x2] =	stream.linear.gather [hbm4b:s5+s3], $0x7D0, $0x38;
	[tilespmem:$0x17ED0] =	vst v63  }
0xa: {  	_ =	swait.ge [sflag:s4], $0x7D0  }
0xb: {  	s7 =	simm.s32 $0x1;
	[sflag:s4] =	ssyncset.done $0x0  }
0xc: {  	s9 =	smul.u32 $0x75300, s6;
	s6 =	simm.s32 $0x7D0;
	[sflag:s4] =	ssyncadd.s32 $0xFFFFF830  }
0xd: {  	[tilespmem:s6], [sflag:$0x1] =	stream.indirect.gather [hbm4b:s2+s6], $0x30, s3, s6, $0xb8;
	[tilespmem:$0x17ED0] =	vst v63  }
0xe: {  	s9 =	sshrl.u32 s9, $0x3;
	_ =	swait.ge [sflag:s7], $0x17700  }
0xf: {  	s17 =	sadd.s32 s9, s8;
	[sflag:s7] =	ssyncset.done $0x0  }
0x10: {  	s8 =	sadd.s32 $0xB600, s17;
	[sflag:s7] =	ssyncadd.s32 $0xFFFE8900  }
0x11: {  	[hbm4b:s8+s3] =	stream.linear.scatter [tilespmem:s6], [sflag:$0x2], $0x17700, $0x38;
	[tilespmem:$0x17ED0] =	vst v63  }
0x12: {  	_ =	swait.ge [sflag:s4], $0x17700  }
0x13: {  	[sflag:s4] =	ssyncset.done $0x0  }
0x14: {  	s9 =	sadd.s32 $0x18FA, s15;
	[sflag:s4] =	ssyncadd.s32 $0xFFFE8900  }
0x15: {  	[tilespmem:s3], [sflag:$0x2] =	stream.linear.gather [hbm4b:s9+s3], $0x7D0, $0x38;
	[tilespmem:$0x17ED0] =	vst v63  }
0x16: {  	_ =	swait.ge [sflag:s4], $0x7D0  }
0x17: {  	[sflag:s4] =	ssyncset.done $0x0  }
0x18: {  	[sflag:s4] =	ssyncadd.s32 $0xFFFFF830  }
0x19: {  	[tilespmem:s6], [sflag:$0x1] =	stream.indirect.gather [hbm4b:s2+s6], $0x30, s3, s6, $0xb8;
	[tilespmem:$0x17ED0] =	vst v63  }
0x1a: {  	_ =	swait.ge [sflag:s7], $0x17700  }
0x1b: {  	[sflag:s7] =	ssyncset.done $0x0  }
0x1c: {  	s10 =	sadd.s32 $0xE4E0, s17;
	[sflag:s7] =	ssyncadd.s32 $0xFFFE8900  }
0x1d: {  	[hbm4b:s10+s3] =	stream.linear.scatter [tilespmem:s6], [sflag:$0x2], $0x17700, $0x38;
	[tilespmem:$0x17ED0] =	vst v63  }
0x1e: {  	_ =	swait.ge [sflag:s4], $0x17700  }
0x1f: {  	[sflag:s4] =	ssyncset.done $0x0  }
0x20: {  	s11 =	sadd.s32 $0x19F4, s15;
	[sflag:s4] =	ssyncadd.s32 $0xFFFE8900  }
0x21: {  	[tilespmem:s3], [sflag:$0x2] =	stream.linear.gather [hbm4b:s11+s3], $0x7D0, $0x38;
	[tilespmem:$0x17ED0] =	vst v63  }
0x22: {  	_ =	swait.ge [sflag:s4], $0x7D0  }
0x23: {  	[sflag:s4] =	ssyncset.done $0x0  }
0x24: {  	[sflag:s4] =	ssyncadd.s32 $0xFFFFF830  }
0x25: {  	[tilespmem:s6], [sflag:$0x1] =	stream.indirect.gather [hbm4b:s2+s6], $0x30, s3, s6, $0xb8;
	[tilespmem:$0x17ED0] =	vst v63  }
0x26: {  	_ =	swait.ge [sflag:s7], $0x17700  }
0x27: {  	[sflag:s7] =	ssyncset.done $0x0  }
0x28: {  	s12 =	sadd.s32 $0x113C0, s17;
	[sflag:s7] =	ssyncadd.s32 $0xFFFE8900  }
0x29: {  	[hbm4b:s12+s3] =	stream.linear.scatter [tilespmem:s6], [sflag:$0x2], $0x17700, $0x38;
	[tilespmem:$0x17ED0] =	vst v63  }
0x2a: {  	_ =	swait.ge [sflag:s4], $0x17700  }
0x2b: {  	[sflag:s4] =	ssyncset.done $0x0  }
0x2c: {  	s13 =	sadd.s32 $0x1AEE, s15;
	[sflag:s4] =	ssyncadd.s32 $0xFFFE8900  }
0x2d: {  	[tilespmem:s3], [sflag:$0x2] =	stream.linear.gather [hbm4b:s13+s3], $0x7D0, $0x38;
	[tilespmem:$0x17ED0] =	vst v63  }
0x2e: {  	_ =	swait.ge [sflag:s4], $0x7D0  }
0x2f: {  	[sflag:s4] =	ssyncset.done $0x0  }
0x30: {  	[sflag:s4] =	ssyncadd.s32 $0xFFFFF830  }
0x31: {  	[tilespmem:s6], [sflag:$0x1] =	stream.indirect.gather [hbm4b:s2+s6], $0x30, s3, s6, $0xb8;
	[tilespmem:$0x17ED0] =	vst v63  }
0x32: {  	_ =	swait.ge [sflag:s7], $0x17700  }
0x33: {  	[sflag:s7] =	ssyncset.done $0x0  }
0x34: {  	s14 =	sadd.s32 $0x142A0, s17;
	[sflag:s7] =	ssyncadd.s32 $0xFFFE8900  }
0x35: {  	[hbm4b:s14+s3] =	stream.linear.scatter [tilespmem:s6], [sflag:$0x2], $0x17700, $0x38;
	[tilespmem:$0x17ED0] =	vst v63  }
0x36: {  	_ =	swait.ge [sflag:s4], $0x17700  }
0x37: {  	[sflag:s4] =	ssyncset.done $0x0  }
0x38: {  	s16 =	ssub.s32 $0x2, s16;
	s15 =	sadd.s32 $0x1BE8, s15;
	[sflag:s4] =	ssyncadd.s32 $0xFFFE8900  }
0x39: {  	[tilespmem:s3], [sflag:$0x2] =	stream.linear.gather [hbm4b:s15+s3], $0x7D0, $0x38;
	[tilespmem:$0x17ED0] =	vst v63  }
0x3a: {  	s18 =	sshrl.u32 s16, $0x1;
	_ =	swait.ge [sflag:s4], $0x7D0  }
0x3b: {  	s18 =	ssub.s32 s16, s18;
	[sflag:s4] =	ssyncset.done $0x0  }
0x3c: {  	s31 =	smax.u32 s18, $0x1;
	[sflag:s4] =	ssyncadd.s32 $0xFFFFF830  }
0x3d: {  	[tilespmem:s6], [sflag:$0x1] =	stream.indirect.gather [hbm4b:s2+s6], $0x30, s3, s6, $0xb8;
	[tilespmem:$0x17ED0] =	vst v63  }
0x3e: {  	p0 =	sne.s32 s31, $0x1;
	_ =	swait.ge [sflag:s7], $0x17700  }
.Ltmp0:
0x3f: {  	[sflag:s7] =	ssyncset.done $0x0;
	(pc) =	sbr.rel @!p0 .LBB2_2-.Ltmp0, $4  }
0x40: {  	s16 =	sadd.s32 $0x17180, s17;
	[sflag:s7] =	ssyncadd.s32 $0xFFFE8900  }
0x41: {  	[hbm4b:s16+s3] =	stream.linear.scatter [tilespmem:s6], [sflag:$0x2], $0x17700, $0x38;
	[tilespmem:$0x17ED0] =	vst v63  }
0x42: {  	_ =	swait.ge [sflag:s4], $0x17700  }
0x43: {  	s17 =	sadd.s32 $0xFFFFFFFF, s31;
	[sflag:s4] =	ssyncset.done $0x0  }
.LBB2_1:
0x44: {  	p0 =	sne.s32 s17, $0x1;
	s17 =	sadd.s32 $0xFFFFFFFF, s17;
	[sflag:s4] =	ssyncadd.s32 $0xFFFE8900  }
0x45: {  	[tilespmem:s3], [sflag:$0x2] =	stream.linear.gather [hbm4b:s5+s3], $0x7D0, $0x38;
	[tilespmem:$0x17ED0] =	vst v63  }
0x46: {  	_ =	swait.ge [sflag:s4], $0x7D0  }
0x47: {  	[sflag:s4] =	ssyncset.done $0x0  }
0x48: {  	[sflag:s4] =	ssyncadd.s32 $0xFFFFF830  }
0x49: {  	[tilespmem:s6], [sflag:$0x1] =	stream.indirect.gather [hbm4b:s2+s6], $0x30, s3, s6, $0xb8;
	[tilespmem:$0x17ED0] =	vst v63  }
0x4a: {  	_ =	swait.ge [sflag:s7], $0x17700  }
0x4b: {  	[sflag:s7] =	ssyncset.done $0x0  }
0x4c: {  	[sflag:s7] =	ssyncadd.s32 $0xFFFE8900  }
0x4d: {  	[hbm4b:s8+s3] =	stream.linear.scatter [tilespmem:s6], [sflag:$0x2], $0x17700, $0x38;
	[tilespmem:$0x17ED0] =	vst v63  }
0x4e: {  	_ =	swait.ge [sflag:s4], $0x17700  }
0x4f: {  	[sflag:s4] =	ssyncset.done $0x0  }
0x50: {  	[sflag:s4] =	ssyncadd.s32 $0xFFFE8900  }
0x51: {  	[tilespmem:s3], [sflag:$0x2] =	stream.linear.gather [hbm4b:s9+s3], $0x7D0, $0x38;
	[tilespmem:$0x17ED0] =	vst v63  }
0x52: {  	_ =	swait.ge [sflag:s4], $0x7D0  }
0x53: {  	[sflag:s4] =	ssyncset.done $0x0  }
0x54: {  	[sflag:s4] =	ssyncadd.s32 $0xFFFFF830  }
0x55: {  	[tilespmem:s6], [sflag:$0x1] =	stream.indirect.gather [hbm4b:s2+s6], $0x30, s3, s6, $0xb8;
	[tilespmem:$0x17ED0] =	vst v63  }
0x56: {  	_ =	swait.ge [sflag:s7], $0x17700  }
0x57: {  	[sflag:s7] =	ssyncset.done $0x0  }
0x58: {  	[sflag:s7] =	ssyncadd.s32 $0xFFFE8900  }
0x59: {  	[hbm4b:s10+s3] =	stream.linear.scatter [tilespmem:s6], [sflag:$0x2], $0x17700, $0x38;
	[tilespmem:$0x17ED0] =	vst v63  }
0x5a: {  	_ =	swait.ge [sflag:s4], $0x17700  }
0x5b: {  	[sflag:s4] =	ssyncset.done $0x0  }
0x5c: {  	[sflag:s4] =	ssyncadd.s32 $0xFFFE8900  }
0x5d: {  	[tilespmem:s3], [sflag:$0x2] =	stream.linear.gather [hbm4b:s11+s3], $0x7D0, $0x38;
	[tilespmem:$0x17ED0] =	vst v63  }
0x5e: {  	_ =	swait.ge [sflag:s4], $0x7D0  }
0x5f: {  	[sflag:s4] =	ssyncset.done $0x0  }
0x60: {  	[sflag:s4] =	ssyncadd.s32 $0xFFFFF830  }
0x61: {  	[tilespmem:s6], [sflag:$0x1] =	stream.indirect.gather [hbm4b:s2+s6], $0x30, s3, s6, $0xb8;
	[tilespmem:$0x17ED0] =	vst v63  }
0x62: {  	_ =	swait.ge [sflag:s7], $0x17700  }
0x63: {  	[sflag:s7] =	ssyncset.done $0x0  }
0x64: {  	[sflag:s7] =	ssyncadd.s32 $0xFFFE8900  }
0x65: {  	[hbm4b:s12+s3] =	stream.linear.scatter [tilespmem:s6], [sflag:$0x2], $0x17700, $0x38;
	[tilespmem:$0x17ED0] =	vst v63  }
0x66: {  	_ =	swait.ge [sflag:s4], $0x17700  }
0x67: {  	[sflag:s4] =	ssyncset.done $0x0  }
0x68: {  	[sflag:s4] =	ssyncadd.s32 $0xFFFE8900  }
0x69: {  	[tilespmem:s3], [sflag:$0x2] =	stream.linear.gather [hbm4b:s13+s3], $0x7D0, $0x38;
	[tilespmem:$0x17ED0] =	vst v63  }
0x6a: {  	_ =	swait.ge [sflag:s4], $0x7D0  }
0x6b: {  	[sflag:s4] =	ssyncset.done $0x0  }
0x6c: {  	[sflag:s4] =	ssyncadd.s32 $0xFFFFF830  }
0x6d: {  	[tilespmem:s6], [sflag:$0x1] =	stream.indirect.gather [hbm4b:s2+s6], $0x30, s3, s6, $0xb8;
	[tilespmem:$0x17ED0] =	vst v63  }
0x6e: {  	_ =	swait.ge [sflag:s7], $0x17700  }
0x6f: {  	[sflag:s7] =	ssyncset.done $0x0  }
0x70: {  	[sflag:s7] =	ssyncadd.s32 $0xFFFE8900  }
0x71: {  	[hbm4b:s14+s3] =	stream.linear.scatter [tilespmem:s6], [sflag:$0x2], $0x17700, $0x38;
	[tilespmem:$0x17ED0] =	vst v63  }
0x72: {  	_ =	swait.ge [sflag:s4], $0x17700  }
0x73: {  	[sflag:s4] =	ssyncset.done $0x0  }
0x74: {  	[sflag:s4] =	ssyncadd.s32 $0xFFFE8900  }
0x75: {  	[tilespmem:s3], [sflag:$0x2] =	stream.linear.gather [hbm4b:s15+s3], $0x7D0, $0x38;
	[tilespmem:$0x17ED0] =	vst v63  }
0x76: {  	_ =	swait.ge [sflag:s4], $0x7D0  }
0x77: {  	[sflag:s4] =	ssyncset.done $0x0  }
0x78: {  	[sflag:s4] =	ssyncadd.s32 $0xFFFFF830  }
0x79: {  	[tilespmem:s6], [sflag:$0x1] =	stream.indirect.gather [hbm4b:s2+s6], $0x30, s3, s6, $0xb8;
	[tilespmem:$0x17ED0] =	vst v63  }
0x7a: {  	_ =	swait.ge [sflag:s7], $0x17700  }
.Ltmp1:
0x7b: {  	[sflag:s7] =	ssyncset.done $0x0;
	(pc) =	sbr.rel @p0 .LBB2_1-.Ltmp1, $4  }
0x7c: {  	[sflag:s7] =	ssyncadd.s32 $0xFFFE8900  }
0x7d: {  	[hbm4b:s16+s3] =	stream.linear.scatter [tilespmem:s6], [sflag:$0x2], $0x17700, $0x38;
	[tilespmem:$0x17ED0] =	vst v63  }
0x7e: {  	_ =	swait.ge [sflag:s4], $0x17700  }
0x7f: {  	[sflag:s4] =	ssyncset.done $0x0  }
.LBB2_2:
0x80: {  	[sflag:s4] =	ssyncadd.s32 $0xFFFE8900  }
0x81: {  	_ =	sfence.sel $0x180000  }
0x82: {  	[bflag:$0x0] =	sbarrier.arrive $0xFFFF  }
0x83: {  	p0 =	sne.s32 s0, $0x0;
	_ =	strace $0x90000047  }
0x84: {  	s0 =	sadd.s32 @!p0 $0x100000, s1;
	[bflag:$0x2] =	sbarrier.arrive $0xFFFF  }
0x85: {  	[sflag:s0] =	ssyncadd.tile.s32 @!p0 $0x1;
	_ =	shalt  }
.Lfunc_end2:
_tile_overlayer_lowered:
.L_overlay_start_2:
0x86: {  	(tag) =	ssettag $0x2  }
0x87: {  	s0 =	rddreg [dreg:$0x0];
	s2 =	stileid.u32  }
0x88: {  	s1 =	rddreg [dreg:$0x1];
	p0 =	sne.s32 s2, $0x0  }
0x89: {  	s3 =	rddreg [dreg:$0x2];
	[bflag:$0x3] =	sbarrier.arrive $0xFFFF;
	s2 =	simm.s32 @!p0 $0x1C02  }
0x8a: {  	[timem:s3], [sflag:s2] =	dma.local @!p0 [hbm:s0], s1  }
0x8b: {  	s0 =	simm.s32 @!p0 $0x2  }
0x8c: {  	_ =	swait.ge @!p0 [sflag:s0], s1  }
0x8d: {  	s1 =	ssub.s32 @!p0 $0x0, s1;
	[sflag:s0] =	ssyncset.done @!p0 $0x0  }
0x8e: {  	[sflag:s0] =	ssyncadd.s32 @!p0 s1  }
0x8f: {  	[bflag:$0x3] =	sbarrier.arrive $0xFFFF  }
0x90: {  	_ =	shalt  }

</sc_bundles>
